<compile_context>
chip_gen: v7x
topology: tpu7x:2x2x1
jax: 0.10.2.dev20260603
libtpu: 0.0.44.dev20260713+nightly
codegen_flags: <defaults>
</compile_context>

<pallas_src>
import functools

import jax
import jax.numpy as jnp
from jax import lax
from jax.experimental import pallas as pl
from jax.experimental.pallas import tpu as pltpu
from jax.experimental.pallas import tpu_sc as plsc

VOCAB = 100000
LANES = 16


def _build(batch, seq):
    groups = (seq + LANES - 1) // LANES
    seq_pad = groups * LANES
    mesh = plsc.VectorSubcoreMesh(core_axis_name="c", subcore_axis_name="s")
    info = plsc.get_sparse_core_info()
    num_workers = info.num_cores * info.num_subcores
    rows_per_w = batch // num_workers

    @functools.partial(
        pl.kernel,
        mesh=mesh,
        out_type=jax.ShapeDtypeStruct((batch, VOCAB), jnp.float32),
        scratch_types=[
            pltpu.VMEM((seq_pad,), jnp.int32),
            pltpu.VMEM((seq_pad,), jnp.float32),
            pltpu.VMEM((seq_pad,), jnp.int32),
            pltpu.VMEM((seq_pad,), jnp.float32),
            pltpu.VMEM((VOCAB,), jnp.float32),
            pltpu.SemaphoreType.DMA,
            pltpu.SemaphoreType.DMA,
            pltpu.SemaphoreType.DMA,
            pltpu.SemaphoreType.DMA,
            pltpu.SemaphoreType.DMA,
        ],
        compiler_params=pltpu.CompilerParams(needs_layout_passes=False),
    )
    def pg_kernel(ids_hbm, w_hbm, out_hbm, idx0, wv0, idx1, wv1, rowbuf,
                  sem_out, sem_i0, sem_w0, sem_i1, sem_w1):
        wid = lax.axis_index("s") * info.num_cores + lax.axis_index("c")
        base = wid * rows_per_w
        izeros = jnp.zeros((LANES,), jnp.int32)
        fzeros = jnp.zeros((LANES,), jnp.float32)

        for g in range(groups):
            sl = pl.ds(g * LANES, LANES)
            idx0[sl] = izeros
            wv0[sl] = fzeros
            idx1[sl] = izeros
            wv1[sl] = fzeros

        def zero_body(i, carry):
            rowbuf[pl.ds(i * LANES, LANES)] = fzeros
            return carry

        lax.fori_loop(0, VOCAB // LANES, zero_body, 0)

        def stage_start(r, iv, wv, si, sw):
            pltpu.async_copy(ids_hbm.at[pl.ds(r * seq, seq)],
                             iv.at[pl.ds(0, seq)], si)
            pltpu.async_copy(w_hbm.at[pl.ds(r * seq, seq)],
                             wv.at[pl.ds(0, seq)], sw)

        def stage_wait(r, iv, wv, si, sw):
            pltpu.make_async_copy(ids_hbm.at[pl.ds(r * seq, seq)],
                                  iv.at[pl.ds(0, seq)], si).wait()
            pltpu.make_async_copy(w_hbm.at[pl.ds(r * seq, seq)],
                                  wv.at[pl.ds(0, seq)], sw).wait()

        def scatter(iv, wv):
            for g in range(groups):
                sl = pl.ds(g * LANES, LANES)
                plsc.addupdate_scatter(rowbuf, [iv[sl]], wv[sl])

        def reset(iv):
            for g in range(groups):
                plsc.store_scatter(rowbuf, [iv[pl.ds(g * LANES, LANES)]],
                                   fzeros)

        def out_start(r):
            pltpu.async_copy(rowbuf, out_hbm.at[r], sem_out)

        def out_wait(r):
            pltpu.make_async_copy(rowbuf, out_hbm.at[r], sem_out).wait()

        stage_start(base, idx0, wv0, sem_i0, sem_w0)
        stage_wait(base, idx0, wv0, sem_i0, sem_w0)
        scatter(idx0, wv0)
        out_start(base)
        stage_start(base + 1, idx1, wv1, sem_i1, sem_w1)

        def pair_body(i, carry):
            ra = base + 2 * i + 1
            rb = ra + 1
            out_wait(ra - 1)
            reset(idx0)
            stage_start(rb, idx0, wv0, sem_i0, sem_w0)
            stage_wait(ra, idx1, wv1, sem_i1, sem_w1)
            scatter(idx1, wv1)
            out_start(ra)
            out_wait(ra)
            reset(idx1)

            @pl.when(rb + 1 < base + rows_per_w)
            def _():
                stage_start(rb + 1, idx1, wv1, sem_i1, sem_w1)

            stage_wait(rb, idx0, wv0, sem_i0, sem_w0)
            scatter(idx0, wv0)
            out_start(rb)
            return carry

        lax.fori_loop(0, (rows_per_w - 1) // 2, pair_body, 0)

        last = base + rows_per_w - 1
        out_wait(last - 1)
        reset(idx0)
        stage_wait(last, idx1, wv1, sem_i1, sem_w1)
        scatter(idx1, wv1)
        out_start(last)
        out_wait(last)

    return pg_kernel


def kernel(encoder_inputs, attention_weight):
    batch, seq = encoder_inputs.shape
    ids = encoder_inputs.astype(jnp.int32).reshape(-1)
    w = attention_weight.astype(jnp.float32).reshape(-1)
    return _build(batch, seq)(ids, w)

# --- scband reference (transcript-rebuilt; emitter-appended) ---
"""Pipeline reference for scband-pointer-generator-distribution-86895778333449 (READ-ONLY COPY).

The authoritative reference and input builder live on the scoring server;
editing this copy changes nothing except your own understanding.
"""

import jax, jax.numpy as jnp
import numpy as np

VOCAB_SIZE = 100000
BATCH = 1024
SEQ = 200

def setup_inputs(seed: int = 0) -> dict:
    key = jax.random.key(seed)
    k1, k2 = jax.random.split(key)
    encoder_inputs = jax.random.randint(k1, (BATCH, SEQ), 0, VOCAB_SIZE, dtype=jnp.int64 if jax.config.read('jax_enable_x64') else jnp.int32)
    attention_weight = jax.random.uniform(k2, (BATCH, SEQ), dtype=jnp.float32)
    # normalize rows so each sums to 1, matching the attention-weight contract
    attention_weight = attention_weight / jnp.sum(attention_weight, axis=1, keepdims=True)
    return {"encoder_inputs": encoder_inputs, "attention_weight": attention_weight}

def reference(encoder_inputs, attention_weight):
    batch_size = encoder_inputs.shape[0]
    out = jnp.zeros((batch_size, VOCAB_SIZE), dtype=attention_weight.dtype)
    rows = jnp.arange(batch_size)[:, None]
    out = out.at[rows, encoder_inputs].add(attention_weight)
    return out

if __name__ == "__main__":
    import jax
    _d = setup_inputs()
    print(jax.jit(kernel)(*tuple(_d.values())))

</pallas_src>

<mosaic_0001>
#map = affine_map<(d0, d1) -> (0)>
#map1 = affine_map<(d0, d1) -> (0, 0)>
module attributes {stable_mosaic.version = 14 : i64} {
  func.func @pg_kernel(%arg0: i32, %arg1: i32, %arg2: memref<204800xi32, #tpu.memory_space<hbm>>, %arg3: memref<204800xf32, #tpu.memory_space<hbm>>, %arg4: memref<1024x100000xf32, #tpu.memory_space<hbm>>, %arg5: memref<208xi32, #tpu.memory_space<vmem>>, %arg6: memref<208xf32, #tpu.memory_space<vmem>>, %arg7: memref<208xi32, #tpu.memory_space<vmem>>, %arg8: memref<208xf32, #tpu.memory_space<vmem>>, %arg9: memref<100000xf32, #tpu.memory_space<vmem>>, %arg10: memref<!tpu.dma_semaphore, #tpu.memory_space<semaphore_mem>>, %arg11: memref<!tpu.dma_semaphore, #tpu.memory_space<semaphore_mem>>, %arg12: memref<!tpu.dma_semaphore, #tpu.memory_space<semaphore_mem>>, %arg13: memref<!tpu.dma_semaphore, #tpu.memory_space<semaphore_mem>>, %arg14: memref<!tpu.dma_semaphore, #tpu.memory_space<semaphore_mem>>) attributes {dimension_semantics = [#tpu.dimension_semantics<core_parallel>, #tpu.dimension_semantics<subcore_parallel>], iteration_bounds = array<i64: 2, 16>, scalar_prefetch = 0 : i64, scratch_operands = 10 : i64, tpu.core_type = #tpu.core_type<sc_vector_subcore>, window_params = [{transform_indices = #map}, {transform_indices = #map}, {transform_indices = #map1}]} {
    %mul3A = arith.constant 2 : i32
    %mul3A_0 = arith.muli %arg1, %mul3A : i32
    %add3A = arith.addi %mul3A_0, %arg0 : i32
    %mul3A_1 = arith.constant 32 : i32
    %mul3A_2 = arith.muli %add3A, %mul3A_1 : i32
    %broadcast_in_dim3A = arith.constant 0 : i32
    %broadcast_in_dim3A_3 = vector.broadcast %broadcast_in_dim3A : i32 to vector<16xi32>
    %broadcast_in_dim3A_4 = arith.constant 0.000000e+00 : f32
    %broadcast_in_dim3A_5 = vector.broadcast %broadcast_in_dim3A_4 : f32 to vector<16xf32>
    %swap3A = arith.constant 0 : index
    %swap3A_6 = tpu.vector_load %arg5[%swap3A] {strides = array<i32>} : memref<208xi32, #tpu.memory_space<vmem>>, vector<16xi32>,
    tpu.vector_store %arg5[%swap3A], %broadcast_in_dim3A_3 {strides = array<i32>} : memref<208xi32, #tpu.memory_space<vmem>>, vector<16xi32>,
    %swap3A_7 = arith.constant 0 : index
    %swap3A_8 = tpu.vector_load %arg6[%swap3A_7] {strides = array<i32>} : memref<208xf32, #tpu.memory_space<vmem>>, vector<16xf32>,
    tpu.vector_store %arg6[%swap3A_7], %broadcast_in_dim3A_5 {strides = array<i32>} : memref<208xf32, #tpu.memory_space<vmem>>, vector<16xf32>,
    %swap3A_9 = arith.constant 0 : index
    %swap3A_10 = tpu.vector_load %arg7[%swap3A_9] {strides = array<i32>} : memref<208xi32, #tpu.memory_space<vmem>>, vector<16xi32>,
    tpu.vector_store %arg7[%swap3A_9], %broadcast_in_dim3A_3 {strides = array<i32>} : memref<208xi32, #tpu.memory_space<vmem>>, vector<16xi32>,
    %swap3A_11 = arith.constant 0 : index
    %swap3A_12 = tpu.vector_load %arg8[%swap3A_11] {strides = array<i32>} : memref<208xf32, #tpu.memory_space<vmem>>, vector<16xf32>,
    tpu.vector_store %arg8[%swap3A_11], %broadcast_in_dim3A_5 {strides = array<i32>} : memref<208xf32, #tpu.memory_space<vmem>>, vector<16xf32>,
    %swap3A_13 = arith.constant 16 : index
    %swap3A_14 = tpu.vector_load %arg5[%swap3A_13] {strides = array<i32>} : memref<208xi32, #tpu.memory_space<vmem>>, vector<16xi32>,
    tpu.vector_store %arg5[%swap3A_13], %broadcast_in_dim3A_3 {strides = array<i32>} : memref<208xi32, #tpu.memory_space<vmem>>, vector<16xi32>,
    %swap3A_15 = arith.constant 16 : index
    %swap3A_16 = tpu.vector_load %arg6[%swap3A_15] {strides = array<i32>} : memref<208xf32, #tpu.memory_space<vmem>>, vector<16xf32>,
    tpu.vector_store %arg6[%swap3A_15], %broadcast_in_dim3A_5 {strides = array<i32>} : memref<208xf32, #tpu.memory_space<vmem>>, vector<16xf32>,
    %swap3A_17 = arith.constant 16 : index
    %swap3A_18 = tpu.vector_load %arg7[%swap3A_17] {strides = array<i32>} : memref<208xi32, #tpu.memory_space<vmem>>, vector<16xi32>,
    tpu.vector_store %arg7[%swap3A_17], %broadcast_in_dim3A_3 {strides = array<i32>} : memref<208xi32, #tpu.memory_space<vmem>>, vector<16xi32>,
    %swap3A_19 = arith.constant 16 : index
    %swap3A_20 = tpu.vector_load %arg8[%swap3A_19] {strides = array<i32>} : memref<208xf32, #tpu.memory_space<vmem>>, vector<16xf32>,
    tpu.vector_store %arg8[%swap3A_19], %broadcast_in_dim3A_5 {strides = array<i32>} : memref<208xf32, #tpu.memory_space<vmem>>, vector<16xf32>,
    %swap3A_21 = arith.constant 32 : index
    %swap3A_22 = tpu.vector_load %arg5[%swap3A_21] {strides = array<i32>} : memref<208xi32, #tpu.memory_space<vmem>>, vector<16xi32>,
    tpu.vector_store %arg5[%swap3A_21], %broadcast_in_dim3A_3 {strides = array<i32>} : memref<208xi32, #tpu.memory_space<vmem>>, vector<16xi32>,
    %swap3A_23 = arith.constant 32 : index
    %swap3A_24 = tpu.vector_load %arg6[%swap3A_23] {strides = array<i32>} : memref<208xf32, #tpu.memory_space<vmem>>, vector<16xf32>,
    tpu.vector_store %arg6[%swap3A_23], %broadcast_in_dim3A_5 {strides = array<i32>} : memref<208xf32, #tpu.memory_space<vmem>>, vector<16xf32>,
    %swap3A_25 = arith.constant 32 : index
    %swap3A_26 = tpu.vector_load %arg7[%swap3A_25] {strides = array<i32>} : memref<208xi32, #tpu.memory_space<vmem>>, vector<16xi32>,
    tpu.vector_store %arg7[%swap3A_25], %broadcast_in_dim3A_3 {strides = array<i32>} : memref<208xi32, #tpu.memory_space<vmem>>, vector<16xi32>,
    %swap3A_27 = arith.constant 32 : index
    %swap3A_28 = tpu.vector_load %arg8[%swap3A_27] {strides = array<i32>} : memref<208xf32, #tpu.memory_space<vmem>>, vector<16xf32>,
    tpu.vector_store %arg8[%swap3A_27], %broadcast_in_dim3A_5 {strides = array<i32>} : memref<208xf32, #tpu.memory_space<vmem>>, vector<16xf32>,
    %swap3A_29 = arith.constant 48 : index
    %swap3A_30 = tpu.vector_load %arg5[%swap3A_29] {strides = array<i32>} : memref<208xi32, #tpu.memory_space<vmem>>, vector<16xi32>,
    tpu.vector_store %arg5[%swap3A_29], %broadcast_in_dim3A_3 {strides = array<i32>} : memref<208xi32, #tpu.memory_space<vmem>>, vector<16xi32>,
    %swap3A_31 = arith.constant 48 : index
    %swap3A_32 = tpu.vector_load %arg6[%swap3A_31] {strides = array<i32>} : memref<208xf32, #tpu.memory_space<vmem>>, vector<16xf32>,
    tpu.vector_store %arg6[%swap3A_31], %broadcast_in_dim3A_5 {strides = array<i32>} : memref<208xf32, #tpu.memory_space<vmem>>, vector<16xf32>,
    %swap3A_33 = arith.constant 48 : index
    %swap3A_34 = tpu.vector_load %arg7[%swap3A_33] {strides = array<i32>} : memref<208xi32, #tpu.memory_space<vmem>>, vector<16xi32>,
    tpu.vector_store %arg7[%swap3A_33], %broadcast_in_dim3A_3 {strides = array<i32>} : memref<208xi32, #tpu.memory_space<vmem>>, vector<16xi32>,
    %swap3A_35 = arith.constant 48 : index
    %swap3A_36 = tpu.vector_load %arg8[%swap3A_35] {strides = array<i32>} : memref<208xf32, #tpu.memory_space<vmem>>, vector<16xf32>,
    tpu.vector_store %arg8[%swap3A_35], %broadcast_in_dim3A_5 {strides = array<i32>} : memref<208xf32, #tpu.memory_space<vmem>>, vector<16xf32>,
    %swap3A_37 = arith.constant 64 : index
    %swap3A_38 = tpu.vector_load %arg5[%swap3A_37] {strides = array<i32>} : memref<208xi32, #tpu.memory_space<vmem>>, vector<16xi32>,
    tpu.vector_store %arg5[%swap3A_37], %broadcast_in_dim3A_3 {strides = array<i32>} : memref<208xi32, #tpu.memory_space<vmem>>, vector<16xi32>,
    %swap3A_39 = arith.constant 64 : index
    %swap3A_40 = tpu.vector_load %arg6[%swap3A_39] {strides = array<i32>} : memref<208xf32, #tpu.memory_space<vmem>>, vector<16xf32>,
    tpu.vector_store %arg6[%swap3A_39], %broadcast_in_dim3A_5 {strides = array<i32>} : memref<208xf32, #tpu.memory_space<vmem>>, vector<16xf32>,
    %swap3A_41 = arith.constant 64 : index
    %swap3A_42 = tpu.vector_load %arg7[%swap3A_41] {strides = array<i32>} : memref<208xi32, #tpu.memory_space<vmem>>, vector<16xi32>,
    tpu.vector_store %arg7[%swap3A_41], %broadcast_in_dim3A_3 {strides = array<i32>} : memref<208xi32, #tpu.memory_space<vmem>>, vector<16xi32>,
    %swap3A_43 = arith.constant 64 : index
    %swap3A_44 = tpu.vector_load %arg8[%swap3A_43] {strides = array<i32>} : memref<208xf32, #tpu.memory_space<vmem>>, vector<16xf32>,
    tpu.vector_store %arg8[%swap3A_43], %broadcast_in_dim3A_5 {strides = array<i32>} : memref<208xf32, #tpu.memory_space<vmem>>, vector<16xf32>,
    %swap3A_45 = arith.constant 80 : index
    %swap3A_46 = tpu.vector_load %arg5[%swap3A_45] {strides = array<i32>} : memref<208xi32, #tpu.memory_space<vmem>>, vector<16xi32>,
    tpu.vector_store %arg5[%swap3A_45], %broadcast_in_dim3A_3 {strides = array<i32>} : memref<208xi32, #tpu.memory_space<vmem>>, vector<16xi32>,
    %swap3A_47 = arith.constant 80 : index
    %swap3A_48 = tpu.vector_load %arg6[%swap3A_47] {strides = array<i32>} : memref<208xf32, #tpu.memory_space<vmem>>, vector<16xf32>,
    tpu.vector_store %arg6[%swap3A_47], %broadcast_in_dim3A_5 {strides = array<i32>} : memref<208xf32, #tpu.memory_space<vmem>>, vector<16xf32>,
    %swap3A_49 = arith.constant 80 : index
    %swap3A_50 = tpu.vector_load %arg7[%swap3A_49] {strides = array<i32>} : memref<208xi32, #tpu.memory_space<vmem>>, vector<16xi32>,
    tpu.vector_store %arg7[%swap3A_49], %broadcast_in_dim3A_3 {strides = array<i32>} : memref<208xi32, #tpu.memory_space<vmem>>, vector<16xi32>,
    %swap3A_51 = arith.constant 80 : index
    %swap3A_52 = tpu.vector_load %arg8[%swap3A_51] {strides = array<i32>} : memref<208xf32, #tpu.memory_space<vmem>>, vector<16xf32>,
    tpu.vector_store %arg8[%swap3A_51], %broadcast_in_dim3A_5 {strides = array<i32>} : memref<208xf32, #tpu.memory_space<vmem>>, vector<16xf32>,
    %swap3A_53 = arith.constant 96 : index
    %swap3A_54 = tpu.vector_load %arg5[%swap3A_53] {strides = array<i32>} : memref<208xi32, #tpu.memory_space<vmem>>, vector<16xi32>,
    tpu.vector_store %arg5[%swap3A_53], %broadcast_in_dim3A_3 {strides = array<i32>} : memref<208xi32, #tpu.memory_space<vmem>>, vector<16xi32>,
    %swap3A_55 = arith.constant 96 : index
    %swap3A_56 = tpu.vector_load %arg6[%swap3A_55] {strides = array<i32>} : memref<208xf32, #tpu.memory_space<vmem>>, vector<16xf32>,
    tpu.vector_store %arg6[%swap3A_55], %broadcast_in_dim3A_5 {strides = array<i32>} : memref<208xf32, #tpu.memory_space<vmem>>, vector<16xf32>,
    %swap3A_57 = arith.constant 96 : index
    %swap3A_58 = tpu.vector_load %arg7[%swap3A_57] {strides = array<i32>} : memref<208xi32, #tpu.memory_space<vmem>>, vector<16xi32>,
    tpu.vector_store %arg7[%swap3A_57], %broadcast_in_dim3A_3 {strides = array<i32>} : memref<208xi32, #tpu.memory_space<vmem>>, vector<16xi32>,
    %swap3A_59 = arith.constant 96 : index
    %swap3A_60 = tpu.vector_load %arg8[%swap3A_59] {strides = array<i32>} : memref<208xf32, #tpu.memory_space<vmem>>, vector<16xf32>,
    tpu.vector_store %arg8[%swap3A_59], %broadcast_in_dim3A_5 {strides = array<i32>} : memref<208xf32, #tpu.memory_space<vmem>>, vector<16xf32>,
    %swap3A_61 = arith.constant 112 : index
    %swap3A_62 = tpu.vector_load %arg5[%swap3A_61] {strides = array<i32>} : memref<208xi32, #tpu.memory_space<vmem>>, vector<16xi32>,
    tpu.vector_store %arg5[%swap3A_61], %broadcast_in_dim3A_3 {strides = array<i32>} : memref<208xi32, #tpu.memory_space<vmem>>, vector<16xi32>,
    %swap3A_63 = arith.constant 112 : index
    %swap3A_64 = tpu.vector_load %arg6[%swap3A_63] {strides = array<i32>} : memref<208xf32, #tpu.memory_space<vmem>>, vector<16xf32>,
    tpu.vector_store %arg6[%swap3A_63], %broadcast_in_dim3A_5 {strides = array<i32>} : memref<208xf32, #tpu.memory_space<vmem>>, vector<16xf32>,
    %swap3A_65 = arith.constant 112 : index
    %swap3A_66 = tpu.vector_load %arg7[%swap3A_65] {strides = array<i32>} : memref<208xi32, #tpu.memory_space<vmem>>, vector<16xi32>,
    tpu.vector_store %arg7[%swap3A_65], %broadcast_in_dim3A_3 {strides = array<i32>} : memref<208xi32, #tpu.memory_space<vmem>>, vector<16xi32>,
    %swap3A_67 = arith.constant 112 : index
    %swap3A_68 = tpu.vector_load %arg8[%swap3A_67] {strides = array<i32>} : memref<208xf32, #tpu.memory_space<vmem>>, vector<16xf32>,
    tpu.vector_store %arg8[%swap3A_67], %broadcast_in_dim3A_5 {strides = array<i32>} : memref<208xf32, #tpu.memory_space<vmem>>, vector<16xf32>,
    %swap3A_69 = arith.constant 128 : index
    %swap3A_70 = tpu.vector_load %arg5[%swap3A_69] {strides = array<i32>} : memref<208xi32, #tpu.memory_space<vmem>>, vector<16xi32>,
    tpu.vector_store %arg5[%swap3A_69], %broadcast_in_dim3A_3 {strides = array<i32>} : memref<208xi32, #tpu.memory_space<vmem>>, vector<16xi32>,
    %swap3A_71 = arith.constant 128 : index
    %swap3A_72 = tpu.vector_load %arg6[%swap3A_71] {strides = array<i32>} : memref<208xf32, #tpu.memory_space<vmem>>, vector<16xf32>,
    tpu.vector_store %arg6[%swap3A_71], %broadcast_in_dim3A_5 {strides = array<i32>} : memref<208xf32, #tpu.memory_space<vmem>>, vector<16xf32>,
    %swap3A_73 = arith.constant 128 : index
    %swap3A_74 = tpu.vector_load %arg7[%swap3A_73] {strides = array<i32>} : memref<208xi32, #tpu.memory_space<vmem>>, vector<16xi32>,
    tpu.vector_store %arg7[%swap3A_73], %broadcast_in_dim3A_3 {strides = array<i32>} : memref<208xi32, #tpu.memory_space<vmem>>, vector<16xi32>,
    %swap3A_75 = arith.constant 128 : index
    %swap3A_76 = tpu.vector_load %arg8[%swap3A_75] {strides = array<i32>} : memref<208xf32, #tpu.memory_space<vmem>>, vector<16xf32>,
    tpu.vector_store %arg8[%swap3A_75], %broadcast_in_dim3A_5 {strides = array<i32>} : memref<208xf32, #tpu.memory_space<vmem>>, vector<16xf32>,
    %swap3A_77 = arith.constant 144 : index
    %swap3A_78 = tpu.vector_load %arg5[%swap3A_77] {strides = array<i32>} : memref<208xi32, #tpu.memory_space<vmem>>, vector<16xi32>,
    tpu.vector_store %arg5[%swap3A_77], %broadcast_in_dim3A_3 {strides = array<i32>} : memref<208xi32, #tpu.memory_space<vmem>>, vector<16xi32>,
    %swap3A_79 = arith.constant 144 : index
    %swap3A_80 = tpu.vector_load %arg6[%swap3A_79] {strides = array<i32>} : memref<208xf32, #tpu.memory_space<vmem>>, vector<16xf32>,
    tpu.vector_store %arg6[%swap3A_79], %broadcast_in_dim3A_5 {strides = array<i32>} : memref<208xf32, #tpu.memory_space<vmem>>, vector<16xf32>,
    %swap3A_81 = arith.constant 144 : index
    %swap3A_82 = tpu.vector_load %arg7[%swap3A_81] {strides = array<i32>} : memref<208xi32, #tpu.memory_space<vmem>>, vector<16xi32>,
    tpu.vector_store %arg7[%swap3A_81], %broadcast_in_dim3A_3 {strides = array<i32>} : memref<208xi32, #tpu.memory_space<vmem>>, vector<16xi32>,
    %swap3A_83 = arith.constant 144 : index
    %swap3A_84 = tpu.vector_load %arg8[%swap3A_83] {strides = array<i32>} : memref<208xf32, #tpu.memory_space<vmem>>, vector<16xf32>,
    tpu.vector_store %arg8[%swap3A_83], %broadcast_in_dim3A_5 {strides = array<i32>} : memref<208xf32, #tpu.memory_space<vmem>>, vector<16xf32>,
    %swap3A_85 = arith.constant 160 : index
    %swap3A_86 = tpu.vector_load %arg5[%swap3A_85] {strides = array<i32>} : memref<208xi32, #tpu.memory_space<vmem>>, vector<16xi32>,
    tpu.vector_store %arg5[%swap3A_85], %broadcast_in_dim3A_3 {strides = array<i32>} : memref<208xi32, #tpu.memory_space<vmem>>, vector<16xi32>,
    %swap3A_87 = arith.constant 160 : index
    %swap3A_88 = tpu.vector_load %arg6[%swap3A_87] {strides = array<i32>} : memref<208xf32, #tpu.memory_space<vmem>>, vector<16xf32>,
    tpu.vector_store %arg6[%swap3A_87], %broadcast_in_dim3A_5 {strides = array<i32>} : memref<208xf32, #tpu.memory_space<vmem>>, vector<16xf32>,
    %swap3A_89 = arith.constant 160 : index
    %swap3A_90 = tpu.vector_load %arg7[%swap3A_89] {strides = array<i32>} : memref<208xi32, #tpu.memory_space<vmem>>, vector<16xi32>,
    tpu.vector_store %arg7[%swap3A_89], %broadcast_in_dim3A_3 {strides = array<i32>} : memref<208xi32, #tpu.memory_space<vmem>>, vector<16xi32>,
    %swap3A_91 = arith.constant 160 : index
    %swap3A_92 = tpu.vector_load %arg8[%swap3A_91] {strides = array<i32>} : memref<208xf32, #tpu.memory_space<vmem>>, vector<16xf32>,
    tpu.vector_store %arg8[%swap3A_91], %broadcast_in_dim3A_5 {strides = array<i32>} : memref<208xf32, #tpu.memory_space<vmem>>, vector<16xf32>,
    %swap3A_93 = arith.constant 176 : index
    %swap3A_94 = tpu.vector_load %arg5[%swap3A_93] {strides = array<i32>} : memref<208xi32, #tpu.memory_space<vmem>>, vector<16xi32>,
    tpu.vector_store %arg5[%swap3A_93], %broadcast_in_dim3A_3 {strides = array<i32>} : memref<208xi32, #tpu.memory_space<vmem>>, vector<16xi32>,
    %swap3A_95 = arith.constant 176 : index
    %swap3A_96 = tpu.vector_load %arg6[%swap3A_95] {strides = array<i32>} : memref<208xf32, #tpu.memory_space<vmem>>, vector<16xf32>,
    tpu.vector_store %arg6[%swap3A_95], %broadcast_in_dim3A_5 {strides = array<i32>} : memref<208xf32, #tpu.memory_space<vmem>>, vector<16xf32>,
    %swap3A_97 = arith.constant 176 : index
    %swap3A_98 = tpu.vector_load %arg7[%swap3A_97] {strides = array<i32>} : memref<208xi32, #tpu.memory_space<vmem>>, vector<16xi32>,
    tpu.vector_store %arg7[%swap3A_97], %broadcast_in_dim3A_3 {strides = array<i32>} : memref<208xi32, #tpu.memory_space<vmem>>, vector<16xi32>,
    %swap3A_99 = arith.constant 176 : index
    %swap3A_100 = tpu.vector_load %arg8[%swap3A_99] {strides = array<i32>} : memref<208xf32, #tpu.memory_space<vmem>>, vector<16xf32>,
    tpu.vector_store %arg8[%swap3A_99], %broadcast_in_dim3A_5 {strides = array<i32>} : memref<208xf32, #tpu.memory_space<vmem>>, vector<16xf32>,
    %swap3A_101 = arith.constant 192 : index
    %swap3A_102 = tpu.vector_load %arg5[%swap3A_101] {strides = array<i32>} : memref<208xi32, #tpu.memory_space<vmem>>, vector<16xi32>,
    tpu.vector_store %arg5[%swap3A_101], %broadcast_in_dim3A_3 {strides = array<i32>} : memref<208xi32, #tpu.memory_space<vmem>>, vector<16xi32>,
    %swap3A_103 = arith.constant 192 : index
    %swap3A_104 = tpu.vector_load %arg6[%swap3A_103] {strides = array<i32>} : memref<208xf32, #tpu.memory_space<vmem>>, vector<16xf32>,
    tpu.vector_store %arg6[%swap3A_103], %broadcast_in_dim3A_5 {strides = array<i32>} : memref<208xf32, #tpu.memory_space<vmem>>, vector<16xf32>,
    %swap3A_105 = arith.constant 192 : index
    %swap3A_106 = tpu.vector_load %arg7[%swap3A_105] {strides = array<i32>} : memref<208xi32, #tpu.memory_space<vmem>>, vector<16xi32>,
    tpu.vector_store %arg7[%swap3A_105], %broadcast_in_dim3A_3 {strides = array<i32>} : memref<208xi32, #tpu.memory_space<vmem>>, vector<16xi32>,
    %swap3A_107 = arith.constant 192 : index
    %swap3A_108 = tpu.vector_load %arg8[%swap3A_107] {strides = array<i32>} : memref<208xf32, #tpu.memory_space<vmem>>, vector<16xf32>,
    tpu.vector_store %arg8[%swap3A_107], %broadcast_in_dim3A_5 {strides = array<i32>} : memref<208xf32, #tpu.memory_space<vmem>>, vector<16xf32>,
    %scan3A = arith.constant 0 : i32
    %scan3A_109 = arith.constant 0 : i32
    %scan3A_110 = arith.constant 6250 : i32
    %scan3A_111 = arith.addi %scan3A_109, %scan3A_110 : i32
    %scan3A_112 = arith.constant 1 : i32
    scf.for %scan3A_342 = %scan3A_109 to %scan3A_111 step %scan3A_112  : i32 {
      %mul3A_343 = arith.constant 16 : i32
      %mul3A_344 = arith.muli %scan3A_342, %mul3A_343 : i32
      %swap3A_345 = arith.index_cast %mul3A_344 : i32 to index
      %swap3A_346 = tpu.vector_load %arg9[%swap3A_345] {strides = array<i32>} : memref<100000xf32, #tpu.memory_space<vmem>>, vector<16xf32>,
      tpu.vector_store %arg9[%swap3A_345], %broadcast_in_dim3A_5 {strides = array<i32>} : memref<100000xf32, #tpu.memory_space<vmem>>, vector<16xf32>,
    }
    %scan3A_113 = arith.constant 6250 : i32
    %mul3A_114 = arith.constant 200 : i32
    %mul3A_115 = arith.muli %mul3A_2, %mul3A_114 : i32
    %dma_start3A = arith.constant 0 : i32
    %dma_start3A_116 = tpu.memref_slice %arg5[%dma_start3A] : memref<208xi32, #tpu.memory_space<vmem>> -> memref<200xi32, #tpu.memory_space<vmem>>
    %dma_start3A_117 = tpu.memref_slice %arg2[%mul3A_115] : memref<204800xi32, #tpu.memory_space<hbm>> -> memref<200xi32, #tpu.memory_space<hbm>>
    %dma_start3A_118 = arith.constant 0 : i32
    %dma_start3A_119 = tpu.memref_slice %arg5[%dma_start3A_118] : memref<208xi32, #tpu.memory_space<vmem>> -> memref<200xi32, #tpu.memory_space<vmem>>
    %dma_start3A_120 = tpu.memref_slice %arg2[%mul3A_115] : memref<204800xi32, #tpu.memory_space<hbm>> -> memref<200xi32, #tpu.memory_space<hbm>>
    tpu.enqueue_dma source(%dma_start3A_120 : memref<200xi32, #tpu.memory_space<hbm>>) target(%dma_start3A_119 : memref<200xi32, #tpu.memory_space<vmem>>) target_semaphore(%arg11 : memref<!tpu.dma_semaphore, #tpu.memory_space<semaphore_mem>>)
    %mul3A_121 = arith.constant 200 : i32
    %mul3A_122 = arith.muli %mul3A_2, %mul3A_121 : i32
    %dma_start3A_123 = arith.constant 0 : i32
    %dma_start3A_124 = tpu.memref_slice %arg6[%dma_start3A_123] : memref<208xf32, #tpu.memory_space<vmem>> -> memref<200xf32, #tpu.memory_space<vmem>>
    %dma_start3A_125 = tpu.memref_slice %arg3[%mul3A_122] : memref<204800xf32, #tpu.memory_space<hbm>> -> memref<200xf32, #tpu.memory_space<hbm>>
    %dma_start3A_126 = arith.constant 0 : i32
    %dma_start3A_127 = tpu.memref_slice %arg6[%dma_start3A_126] : memref<208xf32, #tpu.memory_space<vmem>> -> memref<200xf32, #tpu.memory_space<vmem>>
    %dma_start3A_128 = tpu.memref_slice %arg3[%mul3A_122] : memref<204800xf32, #tpu.memory_space<hbm>> -> memref<200xf32, #tpu.memory_space<hbm>>
    tpu.enqueue_dma source(%dma_start3A_128 : memref<200xf32, #tpu.memory_space<hbm>>) target(%dma_start3A_127 : memref<200xf32, #tpu.memory_space<vmem>>) target_semaphore(%arg12 : memref<!tpu.dma_semaphore, #tpu.memory_space<semaphore_mem>>)
    %mul3A_129 = arith.constant 200 : i32
    %mul3A_130 = arith.muli %mul3A_2, %mul3A_129 : i32
    %dma_wait3A = arith.constant 0 : i32
    %dma_wait3A_131 = tpu.memref_slice %arg5[%dma_wait3A] : memref<208xi32, #tpu.memory_space<vmem>> -> memref<200xi32, #tpu.memory_space<vmem>>
    %dma_wait3A_132 = tpu.memref_slice %arg2[%mul3A_130] : memref<204800xi32, #tpu.memory_space<hbm>> -> memref<200xi32, #tpu.memory_space<hbm>>
    %dma_wait3A_133 = arith.constant 0 : i32
    %dma_wait3A_134 = tpu.memref_slice %arg5[%dma_wait3A_133] : memref<208xi32, #tpu.memory_space<vmem>> -> memref<200xi32, #tpu.memory_space<vmem>>
    %dma_wait3A_135 = tpu.memref_slice %arg2[%mul3A_130] : memref<204800xi32, #tpu.memory_space<hbm>> -> memref<200xi32, #tpu.memory_space<hbm>>
    tpu.wait_dma2 semaphore(%arg11 : memref<!tpu.dma_semaphore, #tpu.memory_space<semaphore_mem>>) src(%dma_wait3A_135 : memref<200xi32, #tpu.memory_space<hbm>>) dst(%dma_wait3A_134 : memref<200xi32, #tpu.memory_space<vmem>>)
    %mul3A_136 = arith.constant 200 : i32
    %mul3A_137 = arith.muli %mul3A_2, %mul3A_136 : i32
    %dma_wait3A_138 = arith.constant 0 : i32
    %dma_wait3A_139 = tpu.memref_slice %arg6[%dma_wait3A_138] : memref<208xf32, #tpu.memory_space<vmem>> -> memref<200xf32, #tpu.memory_space<vmem>>
    %dma_wait3A_140 = tpu.memref_slice %arg3[%mul3A_137] : memref<204800xf32, #tpu.memory_space<hbm>> -> memref<200xf32, #tpu.memory_space<hbm>>
    %dma_wait3A_141 = arith.constant 0 : i32
    %dma_wait3A_142 = tpu.memref_slice %arg6[%dma_wait3A_141] : memref<208xf32, #tpu.memory_space<vmem>> -> memref<200xf32, #tpu.memory_space<vmem>>
    %dma_wait3A_143 = tpu.memref_slice %arg3[%mul3A_137] : memref<204800xf32, #tpu.memory_space<hbm>> -> memref<200xf32, #tpu.memory_space<hbm>>
    tpu.wait_dma2 semaphore(%arg12 : memref<!tpu.dma_semaphore, #tpu.memory_space<semaphore_mem>>) src(%dma_wait3A_143 : memref<200xf32, #tpu.memory_space<hbm>>) dst(%dma_wait3A_142 : memref<200xf32, #tpu.memory_space<vmem>>)
    %get3A = arith.constant 0 : index
    %get3A_144 = tpu.vector_load %arg5[%get3A] {strides = array<i32>} : memref<208xi32, #tpu.memory_space<vmem>>, vector<16xi32>,
    %get3A_145 = arith.constant 0 : index
    %get3A_146 = tpu.vector_load %arg6[%get3A_145] {strides = array<i32>} : memref<208xf32, #tpu.memory_space<vmem>>, vector<16xf32>,
    tpu.vector_store_idx %arg9[%get3A_144], %get3A_146 {add = true} : memref<100000xf32, #tpu.memory_space<vmem>>[vector<16xi32>], vector<16xf32>,
    %get3A_147 = arith.constant 16 : index
    %get3A_148 = tpu.vector_load %arg5[%get3A_147] {strides = array<i32>} : memref<208xi32, #tpu.memory_space<vmem>>, vector<16xi32>,
    %get3A_149 = arith.constant 16 : index
    %get3A_150 = tpu.vector_load %arg6[%get3A_149] {strides = array<i32>} : memref<208xf32, #tpu.memory_space<vmem>>, vector<16xf32>,
    tpu.vector_store_idx %arg9[%get3A_148], %get3A_150 {add = true} : memref<100000xf32, #tpu.memory_space<vmem>>[vector<16xi32>], vector<16xf32>,
    %get3A_151 = arith.constant 32 : index
    %get3A_152 = tpu.vector_load %arg5[%get3A_151] {strides = array<i32>} : memref<208xi32, #tpu.memory_space<vmem>>, vector<16xi32>,
    %get3A_153 = arith.constant 32 : index
    %get3A_154 = tpu.vector_load %arg6[%get3A_153] {strides = array<i32>} : memref<208xf32, #tpu.memory_space<vmem>>, vector<16xf32>,
    tpu.vector_store_idx %arg9[%get3A_152], %get3A_154 {add = true} : memref<100000xf32, #tpu.memory_space<vmem>>[vector<16xi32>], vector<16xf32>,
    %get3A_155 = arith.constant 48 : index
    %get3A_156 = tpu.vector_load %arg5[%get3A_155] {strides = array<i32>} : memref<208xi32, #tpu.memory_space<vmem>>, vector<16xi32>,
    %get3A_157 = arith.constant 48 : index
    %get3A_158 = tpu.vector_load %arg6[%get3A_157] {strides = array<i32>} : memref<208xf32, #tpu.memory_space<vmem>>, vector<16xf32>,
    tpu.vector_store_idx %arg9[%get3A_156], %get3A_158 {add = true} : memref<100000xf32, #tpu.memory_space<vmem>>[vector<16xi32>], vector<16xf32>,
    %get3A_159 = arith.constant 64 : index
    %get3A_160 = tpu.vector_load %arg5[%get3A_159] {strides = array<i32>} : memref<208xi32, #tpu.memory_space<vmem>>, vector<16xi32>,
    %get3A_161 = arith.constant 64 : index
    %get3A_162 = tpu.vector_load %arg6[%get3A_161] {strides = array<i32>} : memref<208xf32, #tpu.memory_space<vmem>>, vector<16xf32>,
    tpu.vector_store_idx %arg9[%get3A_160], %get3A_162 {add = true} : memref<100000xf32, #tpu.memory_space<vmem>>[vector<16xi32>], vector<16xf32>,
    %get3A_163 = arith.constant 80 : index
    %get3A_164 = tpu.vector_load %arg5[%get3A_163] {strides = array<i32>} : memref<208xi32, #tpu.memory_space<vmem>>, vector<16xi32>,
    %get3A_165 = arith.constant 80 : index
    %get3A_166 = tpu.vector_load %arg6[%get3A_165] {strides = array<i32>} : memref<208xf32, #tpu.memory_space<vmem>>, vector<16xf32>,
    tpu.vector_store_idx %arg9[%get3A_164], %get3A_166 {add = true} : memref<100000xf32, #tpu.memory_space<vmem>>[vector<16xi32>], vector<16xf32>,
    %get3A_167 = arith.constant 96 : index
    %get3A_168 = tpu.vector_load %arg5[%get3A_167] {strides = array<i32>} : memref<208xi32, #tpu.memory_space<vmem>>, vector<16xi32>,
    %get3A_169 = arith.constant 96 : index
    %get3A_170 = tpu.vector_load %arg6[%get3A_169] {strides = array<i32>} : memref<208xf32, #tpu.memory_space<vmem>>, vector<16xf32>,
    tpu.vector_store_idx %arg9[%get3A_168], %get3A_170 {add = true} : memref<100000xf32, #tpu.memory_space<vmem>>[vector<16xi32>], vector<16xf32>,
    %get3A_171 = arith.constant 112 : index
    %get3A_172 = tpu.vector_load %arg5[%get3A_171] {strides = array<i32>} : memref<208xi32, #tpu.memory_space<vmem>>, vector<16xi32>,
    %get3A_173 = arith.constant 112 : index
    %get3A_174 = tpu.vector_load %arg6[%get3A_173] {strides = array<i32>} : memref<208xf32, #tpu.memory_space<vmem>>, vector<16xf32>,
    tpu.vector_store_idx %arg9[%get3A_172], %get3A_174 {add = true} : memref<100000xf32, #tpu.memory_space<vmem>>[vector<16xi32>], vector<16xf32>,
    %get3A_175 = arith.constant 128 : index
    %get3A_176 = tpu.vector_load %arg5[%get3A_175] {strides = array<i32>} : memref<208xi32, #tpu.memory_space<vmem>>, vector<16xi32>,
    %get3A_177 = arith.constant 128 : index
    %get3A_178 = tpu.vector_load %arg6[%get3A_177] {strides = array<i32>} : memref<208xf32, #tpu.memory_space<vmem>>, vector<16xf32>,
    tpu.vector_store_idx %arg9[%get3A_176], %get3A_178 {add = true} : memref<100000xf32, #tpu.memory_space<vmem>>[vector<16xi32>], vector<16xf32>,
    %get3A_179 = arith.constant 144 : index
    %get3A_180 = tpu.vector_load %arg5[%get3A_179] {strides = array<i32>} : memref<208xi32, #tpu.memory_space<vmem>>, vector<16xi32>,
    %get3A_181 = arith.constant 144 : index
    %get3A_182 = tpu.vector_load %arg6[%get3A_181] {strides = array<i32>} : memref<208xf32, #tpu.memory_space<vmem>>, vector<16xf32>,
    tpu.vector_store_idx %arg9[%get3A_180], %get3A_182 {add = true} : memref<100000xf32, #tpu.memory_space<vmem>>[vector<16xi32>], vector<16xf32>,
    %get3A_183 = arith.constant 160 : index
    %get3A_184 = tpu.vector_load %arg5[%get3A_183] {strides = array<i32>} : memref<208xi32, #tpu.memory_space<vmem>>, vector<16xi32>,
    %get3A_185 = arith.constant 160 : index
    %get3A_186 = tpu.vector_load %arg6[%get3A_185] {strides = array<i32>} : memref<208xf32, #tpu.memory_space<vmem>>, vector<16xf32>,
    tpu.vector_store_idx %arg9[%get3A_184], %get3A_186 {add = true} : memref<100000xf32, #tpu.memory_space<vmem>>[vector<16xi32>], vector<16xf32>,
    %get3A_187 = arith.constant 176 : index
    %get3A_188 = tpu.vector_load %arg5[%get3A_187] {strides = array<i32>} : memref<208xi32, #tpu.memory_space<vmem>>, vector<16xi32>,
    %get3A_189 = arith.constant 176 : index
    %get3A_190 = tpu.vector_load %arg6[%get3A_189] {strides = array<i32>} : memref<208xf32, #tpu.memory_space<vmem>>, vector<16xf32>,
    tpu.vector_store_idx %arg9[%get3A_188], %get3A_190 {add = true} : memref<100000xf32, #tpu.memory_space<vmem>>[vector<16xi32>], vector<16xf32>,
    %get3A_191 = arith.constant 192 : index
    %get3A_192 = tpu.vector_load %arg5[%get3A_191] {strides = array<i32>} : memref<208xi32, #tpu.memory_space<vmem>>, vector<16xi32>,
    %get3A_193 = arith.constant 192 : index
    %get3A_194 = tpu.vector_load %arg6[%get3A_193] {strides = array<i32>} : memref<208xf32, #tpu.memory_space<vmem>>, vector<16xf32>,
    tpu.vector_store_idx %arg9[%get3A_192], %get3A_194 {add = true} : memref<100000xf32, #tpu.memory_space<vmem>>[vector<16xi32>], vector<16xf32>,
    %dma_start3A_195 = arith.constant 0 : i32
    %dma_start3A_196 = tpu.memref_slice %arg4[%mul3A_2, %dma_start3A_195] : memref<1024x100000xf32, #tpu.memory_space<hbm>> -> memref<1x100000xf32, #tpu.memory_space<hbm>>
    %dma_start3A_197 = tpu.memref_squeeze %dma_start3A_196 : memref<1x100000xf32, #tpu.memory_space<hbm>> -> memref<100000xf32, #tpu.memory_space<hbm>>
    %dma_start3A_198 = arith.constant 0 : i32
    %dma_start3A_199 = tpu.memref_slice %arg4[%mul3A_2, %dma_start3A_198] : memref<1024x100000xf32, #tpu.memory_space<hbm>> -> memref<1x100000xf32, #tpu.memory_space<hbm>>
    %dma_start3A_200 = tpu.memref_squeeze %dma_start3A_199 : memref<1x100000xf32, #tpu.memory_space<hbm>> -> memref<100000xf32, #tpu.memory_space<hbm>>
    tpu.enqueue_dma source(%arg9 : memref<100000xf32, #tpu.memory_space<vmem>>) target(%dma_start3A_200 : memref<100000xf32, #tpu.memory_space<hbm>>) target_semaphore(%arg10 : memref<!tpu.dma_semaphore, #tpu.memory_space<semaphore_mem>>)
    %add3A_201 = arith.constant 1 : i32
    %add3A_202 = arith.addi %mul3A_2, %add3A_201 : i32
    %mul3A_203 = arith.constant 200 : i32
    %mul3A_204 = arith.muli %add3A_202, %mul3A_203 : i32
    %dma_start3A_205 = arith.constant 0 : i32
    %dma_start3A_206 = tpu.memref_slice %arg7[%dma_start3A_205] : memref<208xi32, #tpu.memory_space<vmem>> -> memref<200xi32, #tpu.memory_space<vmem>>
    %dma_start3A_207 = tpu.memref_slice %arg2[%mul3A_204] : memref<204800xi32, #tpu.memory_space<hbm>> -> memref<200xi32, #tpu.memory_space<hbm>>
    %dma_start3A_208 = arith.constant 0 : i32
    %dma_start3A_209 = tpu.memref_slice %arg7[%dma_start3A_208] : memref<208xi32, #tpu.memory_space<vmem>> -> memref<200xi32, #tpu.memory_space<vmem>>
    %dma_start3A_210 = tpu.memref_slice %arg2[%mul3A_204] : memref<204800xi32, #tpu.memory_space<hbm>> -> memref<200xi32, #tpu.memory_space<hbm>>
    tpu.enqueue_dma source(%dma_start3A_210 : memref<200xi32, #tpu.memory_space<hbm>>) target(%dma_start3A_209 : memref<200xi32, #tpu.memory_space<vmem>>) target_semaphore(%arg13 : memref<!tpu.dma_semaphore, #tpu.memory_space<semaphore_mem>>)
    %mul3A_211 = arith.constant 200 : i32
    %mul3A_212 = arith.muli %add3A_202, %mul3A_211 : i32
    %dma_start3A_213 = arith.constant 0 : i32
    %dma_start3A_214 = tpu.memref_slice %arg8[%dma_start3A_213] : memref<208xf32, #tpu.memory_space<vmem>> -> memref<200xf32, #tpu.memory_space<vmem>>
    %dma_start3A_215 = tpu.memref_slice %arg3[%mul3A_212] : memref<204800xf32, #tpu.memory_space<hbm>> -> memref<200xf32, #tpu.memory_space<hbm>>
    %dma_start3A_216 = arith.constant 0 : i32
    %dma_start3A_217 = tpu.memref_slice %arg8[%dma_start3A_216] : memref<208xf32, #tpu.memory_space<vmem>> -> memref<200xf32, #tpu.memory_space<vmem>>
    %dma_start3A_218 = tpu.memref_slice %arg3[%mul3A_212] : memref<204800xf32, #tpu.memory_space<hbm>> -> memref<200xf32, #tpu.memory_space<hbm>>
    tpu.enqueue_dma source(%dma_start3A_218 : memref<200xf32, #tpu.memory_space<hbm>>) target(%dma_start3A_217 : memref<200xf32, #tpu.memory_space<vmem>>) target_semaphore(%arg14 : memref<!tpu.dma_semaphore, #tpu.memory_space<semaphore_mem>>)
    %scan3A_219 = arith.constant 0 : i32
    %scan3A_220 = arith.constant 0 : i32
    %scan3A_221 = arith.constant 15 : i32
    %scan3A_222 = arith.addi %scan3A_220, %scan3A_221 : i32
    %scan3A_223 = arith.constant 1 : i32
    scf.for %scan3A_342 = %scan3A_220 to %scan3A_222 step %scan3A_223  : i32 {
      %mul3A_343 = arith.constant 2 : i32
      %mul3A_344 = arith.muli %mul3A_343, %scan3A_342 : i32
      %add3A_345 = arith.addi %mul3A_2, %mul3A_344 : i32
      %add3A_346 = arith.constant 1 : i32
      %add3A_347 = arith.addi %add3A_345, %add3A_346 : i32
      %add3A_348 = arith.constant 1 : i32
      %add3A_349 = arith.addi %add3A_347, %add3A_348 : i32
      %sub3A_350 = arith.constant 1 : i32
      %sub3A_351 = arith.subi %add3A_347, %sub3A_350 : i32
      %dma_wait3A_352 = arith.constant 0 : i32
      %dma_wait3A_353 = tpu.memref_slice %arg4[%sub3A_351, %dma_wait3A_352] : memref<1024x100000xf32, #tpu.memory_space<hbm>> -> memref<1x100000xf32, #tpu.memory_space<hbm>>
      %dma_wait3A_354 = tpu.memref_squeeze %dma_wait3A_353 : memref<1x100000xf32, #tpu.memory_space<hbm>> -> memref<100000xf32, #tpu.memory_space<hbm>>
      %dma_wait3A_355 = arith.constant 0 : i32
      %dma_wait3A_356 = tpu.memref_slice %arg4[%sub3A_351, %dma_wait3A_355] : memref<1024x100000xf32, #tpu.memory_space<hbm>> -> memref<1x100000xf32, #tpu.memory_space<hbm>>
      %dma_wait3A_357 = tpu.memref_squeeze %dma_wait3A_356 : memref<1x100000xf32, #tpu.memory_space<hbm>> -> memref<100000xf32, #tpu.memory_space<hbm>>
      tpu.wait_dma2 semaphore(%arg10 : memref<!tpu.dma_semaphore, #tpu.memory_space<semaphore_mem>>) src(%arg9 : memref<100000xf32, #tpu.memory_space<vmem>>) dst(%dma_wait3A_357 : memref<100000xf32, #tpu.memory_space<hbm>>)
      %get3A_358 = arith.constant 0 : index
      %get3A_359 = tpu.vector_load %arg5[%get3A_358] {strides = array<i32>} : memref<208xi32, #tpu.memory_space<vmem>>, vector<16xi32>,
      tpu.vector_store_idx %arg9[%get3A_359], %broadcast_in_dim3A_5 : memref<100000xf32, #tpu.memory_space<vmem>>[vector<16xi32>], vector<16xf32>,
      %get3A_360 = arith.constant 16 : index
      %get3A_361 = tpu.vector_load %arg5[%get3A_360] {strides = array<i32>} : memref<208xi32, #tpu.memory_space<vmem>>, vector<16xi32>,
      tpu.vector_store_idx %arg9[%get3A_361], %broadcast_in_dim3A_5 : memref<100000xf32, #tpu.memory_space<vmem>>[vector<16xi32>], vector<16xf32>,
      %get3A_362 = arith.constant 32 : index
      %get3A_363 = tpu.vector_load %arg5[%get3A_362] {strides = array<i32>} : memref<208xi32, #tpu.memory_space<vmem>>, vector<16xi32>,
      tpu.vector_store_idx %arg9[%get3A_363], %broadcast_in_dim3A_5 : memref<100000xf32, #tpu.memory_space<vmem>>[vector<16xi32>], vector<16xf32>,
      %get3A_364 = arith.constant 48 : index
      %get3A_365 = tpu.vector_load %arg5[%get3A_364] {strides = array<i32>} : memref<208xi32, #tpu.memory_space<vmem>>, vector<16xi32>,
      tpu.vector_store_idx %arg9[%get3A_365], %broadcast_in_dim3A_5 : memref<100000xf32, #tpu.memory_space<vmem>>[vector<16xi32>], vector<16xf32>,
      %get3A_366 = arith.constant 64 : index
      %get3A_367 = tpu.vector_load %arg5[%get3A_366] {strides = array<i32>} : memref<208xi32, #tpu.memory_space<vmem>>, vector<16xi32>,
      tpu.vector_store_idx %arg9[%get3A_367], %broadcast_in_dim3A_5 : memref<100000xf32, #tpu.memory_space<vmem>>[vector<16xi32>], vector<16xf32>,
      %get3A_368 = arith.constant 80 : index
      %get3A_369 = tpu.vector_load %arg5[%get3A_368] {strides = array<i32>} : memref<208xi32, #tpu.memory_space<vmem>>, vector<16xi32>,
      tpu.vector_store_idx %arg9[%get3A_369], %broadcast_in_dim3A_5 : memref<100000xf32, #tpu.memory_space<vmem>>[vector<16xi32>], vector<16xf32>,
      %get3A_370 = arith.constant 96 : index
      %get3A_371 = tpu.vector_load %arg5[%get3A_370] {strides = array<i32>} : memref<208xi32, #tpu.memory_space<vmem>>, vector<16xi32>,
      tpu.vector_store_idx %arg9[%get3A_371], %broadcast_in_dim3A_5 : memref<100000xf32, #tpu.memory_space<vmem>>[vector<16xi32>], vector<16xf32>,
      %get3A_372 = arith.constant 112 : index
      %get3A_373 = tpu.vector_load %arg5[%get3A_372] {strides = array<i32>} : memref<208xi32, #tpu.memory_space<vmem>>, vector<16xi32>,
      tpu.vector_store_idx %arg9[%get3A_373], %broadcast_in_dim3A_5 : memref<100000xf32, #tpu.memory_space<vmem>>[vector<16xi32>], vector<16xf32>,
      %get3A_374 = arith.constant 128 : index
      %get3A_375 = tpu.vector_load %arg5[%get3A_374] {strides = array<i32>} : memref<208xi32, #tpu.memory_space<vmem>>, vector<16xi32>,
      tpu.vector_store_idx %arg9[%get3A_375], %broadcast_in_dim3A_5 : memref<100000xf32, #tpu.memory_space<vmem>>[vector<16xi32>], vector<16xf32>,
      %get3A_376 = arith.constant 144 : index
      %get3A_377 = tpu.vector_load %arg5[%get3A_376] {strides = array<i32>} : memref<208xi32, #tpu.memory_space<vmem>>, vector<16xi32>,
      tpu.vector_store_idx %arg9[%get3A_377], %broadcast_in_dim3A_5 : memref<100000xf32, #tpu.memory_space<vmem>>[vector<16xi32>], vector<16xf32>,
      %get3A_378 = arith.constant 160 : index
      %get3A_379 = tpu.vector_load %arg5[%get3A_378] {strides = array<i32>} : memref<208xi32, #tpu.memory_space<vmem>>, vector<16xi32>,
      tpu.vector_store_idx %arg9[%get3A_379], %broadcast_in_dim3A_5 : memref<100000xf32, #tpu.memory_space<vmem>>[vector<16xi32>], vector<16xf32>,
      %get3A_380 = arith.constant 176 : index
      %get3A_381 = tpu.vector_load %arg5[%get3A_380] {strides = array<i32>} : memref<208xi32, #tpu.memory_space<vmem>>, vector<16xi32>,
      tpu.vector_store_idx %arg9[%get3A_381], %broadcast_in_dim3A_5 : memref<100000xf32, #tpu.memory_space<vmem>>[vector<16xi32>], vector<16xf32>,
      %get3A_382 = arith.constant 192 : index
      %get3A_383 = tpu.vector_load %arg5[%get3A_382] {strides = array<i32>} : memref<208xi32, #tpu.memory_space<vmem>>, vector<16xi32>,
      tpu.vector_store_idx %arg9[%get3A_383], %broadcast_in_dim3A_5 : memref<100000xf32, #tpu.memory_space<vmem>>[vector<16xi32>], vector<16xf32>,
      %mul3A_384 = arith.constant 200 : i32
      %mul3A_385 = arith.muli %add3A_349, %mul3A_384 : i32
      %dma_start3A_386 = arith.constant 0 : i32
      %dma_start3A_387 = tpu.memref_slice %arg5[%dma_start3A_386] : memref<208xi32, #tpu.memory_space<vmem>> -> memref<200xi32, #tpu.memory_space<vmem>>
      %dma_start3A_388 = tpu.memref_slice %arg2[%mul3A_385] : memref<204800xi32, #tpu.memory_space<hbm>> -> memref<200xi32, #tpu.memory_space<hbm>>
      %dma_start3A_389 = arith.constant 0 : i32
      %dma_start3A_390 = tpu.memref_slice %arg5[%dma_start3A_389] : memref<208xi32, #tpu.memory_space<vmem>> -> memref<200xi32, #tpu.memory_space<vmem>>
      %dma_start3A_391 = tpu.memref_slice %arg2[%mul3A_385] : memref<204800xi32, #tpu.memory_space<hbm>> -> memref<200xi32, #tpu.memory_space<hbm>>
      tpu.enqueue_dma source(%dma_start3A_391 : memref<200xi32, #tpu.memory_space<hbm>>) target(%dma_start3A_390 : memref<200xi32, #tpu.memory_space<vmem>>) target_semaphore(%arg11 : memref<!tpu.dma_semaphore, #tpu.memory_space<semaphore_mem>>)
      %mul3A_392 = arith.constant 200 : i32
      %mul3A_393 = arith.muli %add3A_349, %mul3A_392 : i32
      %dma_start3A_394 = arith.constant 0 : i32
      %dma_start3A_395 = tpu.memref_slice %arg6[%dma_start3A_394] : memref<208xf32, #tpu.memory_space<vmem>> -> memref<200xf32, #tpu.memory_space<vmem>>
      %dma_start3A_396 = tpu.memref_slice %arg3[%mul3A_393] : memref<204800xf32, #tpu.memory_space<hbm>> -> memref<200xf32, #tpu.memory_space<hbm>>
      %dma_start3A_397 = arith.constant 0 : i32
      %dma_start3A_398 = tpu.memref_slice %arg6[%dma_start3A_397] : memref<208xf32, #tpu.memory_space<vmem>> -> memref<200xf32, #tpu.memory_space<vmem>>
      %dma_start3A_399 = tpu.memref_slice %arg3[%mul3A_393] : memref<204800xf32, #tpu.memory_space<hbm>> -> memref<200xf32, #tpu.memory_space<hbm>>
      tpu.enqueue_dma source(%dma_start3A_399 : memref<200xf32, #tpu.memory_space<hbm>>) target(%dma_start3A_398 : memref<200xf32, #tpu.memory_space<vmem>>) target_semaphore(%arg12 : memref<!tpu.dma_semaphore, #tpu.memory_space<semaphore_mem>>)
      %mul3A_400 = arith.constant 200 : i32
      %mul3A_401 = arith.muli %add3A_347, %mul3A_400 : i32
      %dma_wait3A_402 = arith.constant 0 : i32
      %dma_wait3A_403 = tpu.memref_slice %arg7[%dma_wait3A_402] : memref<208xi32, #tpu.memory_space<vmem>> -> memref<200xi32, #tpu.memory_space<vmem>>
      %dma_wait3A_404 = tpu.memref_slice %arg2[%mul3A_401] : memref<204800xi32, #tpu.memory_space<hbm>> -> memref<200xi32, #tpu.memory_space<hbm>>
      %dma_wait3A_405 = arith.constant 0 : i32
      %dma_wait3A_406 = tpu.memref_slice %arg7[%dma_wait3A_405] : memref<208xi32, #tpu.memory_space<vmem>> -> memref<200xi32, #tpu.memory_space<vmem>>
      %dma_wait3A_407 = tpu.memref_slice %arg2[%mul3A_401] : memref<204800xi32, #tpu.memory_space<hbm>> -> memref<200xi32, #tpu.memory_space<hbm>>
      tpu.wait_dma2 semaphore(%arg13 : memref<!tpu.dma_semaphore, #tpu.memory_space<semaphore_mem>>) src(%dma_wait3A_407 : memref<200xi32, #tpu.memory_space<hbm>>) dst(%dma_wait3A_406 : memref<200xi32, #tpu.memory_space<vmem>>)
      %mul3A_408 = arith.constant 200 : i32
      %mul3A_409 = arith.muli %add3A_347, %mul3A_408 : i32
      %dma_wait3A_410 = arith.constant 0 : i32
      %dma_wait3A_411 = tpu.memref_slice %arg8[%dma_wait3A_410] : memref<208xf32, #tpu.memory_space<vmem>> -> memref<200xf32, #tpu.memory_space<vmem>>
      %dma_wait3A_412 = tpu.memref_slice %arg3[%mul3A_409] : memref<204800xf32, #tpu.memory_space<hbm>> -> memref<200xf32, #tpu.memory_space<hbm>>
      %dma_wait3A_413 = arith.constant 0 : i32
      %dma_wait3A_414 = tpu.memref_slice %arg8[%dma_wait3A_413] : memref<208xf32, #tpu.memory_space<vmem>> -> memref<200xf32, #tpu.memory_space<vmem>>
      %dma_wait3A_415 = tpu.memref_slice %arg3[%mul3A_409] : memref<204800xf32, #tpu.memory_space<hbm>> -> memref<200xf32, #tpu.memory_space<hbm>>
      tpu.wait_dma2 semaphore(%arg14 : memref<!tpu.dma_semaphore, #tpu.memory_space<semaphore_mem>>) src(%dma_wait3A_415 : memref<200xf32, #tpu.memory_space<hbm>>) dst(%dma_wait3A_414 : memref<200xf32, #tpu.memory_space<vmem>>)
      %get3A_416 = arith.constant 0 : index
      %get3A_417 = tpu.vector_load %arg7[%get3A_416] {strides = array<i32>} : memref<208xi32, #tpu.memory_space<vmem>>, vector<16xi32>,
      %get3A_418 = arith.constant 0 : index
      %get3A_419 = tpu.vector_load %arg8[%get3A_418] {strides = array<i32>} : memref<208xf32, #tpu.memory_space<vmem>>, vector<16xf32>,
      tpu.vector_store_idx %arg9[%get3A_417], %get3A_419 {add = true} : memref<100000xf32, #tpu.memory_space<vmem>>[vector<16xi32>], vector<16xf32>,
      %get3A_420 = arith.constant 16 : index
      %get3A_421 = tpu.vector_load %arg7[%get3A_420] {strides = array<i32>} : memref<208xi32, #tpu.memory_space<vmem>>, vector<16xi32>,
      %get3A_422 = arith.constant 16 : index
      %get3A_423 = tpu.vector_load %arg8[%get3A_422] {strides = array<i32>} : memref<208xf32, #tpu.memory_space<vmem>>, vector<16xf32>,
      tpu.vector_store_idx %arg9[%get3A_421], %get3A_423 {add = true} : memref<100000xf32, #tpu.memory_space<vmem>>[vector<16xi32>], vector<16xf32>,
      %get3A_424 = arith.constant 32 : index
      %get3A_425 = tpu.vector_load %arg7[%get3A_424] {strides = array<i32>} : memref<208xi32, #tpu.memory_space<vmem>>, vector<16xi32>,
      %get3A_426 = arith.constant 32 : index
      %get3A_427 = tpu.vector_load %arg8[%get3A_426] {strides = array<i32>} : memref<208xf32, #tpu.memory_space<vmem>>, vector<16xf32>,
      tpu.vector_store_idx %arg9[%get3A_425], %get3A_427 {add = true} : memref<100000xf32, #tpu.memory_space<vmem>>[vector<16xi32>], vector<16xf32>,
      %get3A_428 = arith.constant 48 : index
      %get3A_429 = tpu.vector_load %arg7[%get3A_428] {strides = array<i32>} : memref<208xi32, #tpu.memory_space<vmem>>, vector<16xi32>,
      %get3A_430 = arith.constant 48 : index
      %get3A_431 = tpu.vector_load %arg8[%get3A_430] {strides = array<i32>} : memref<208xf32, #tpu.memory_space<vmem>>, vector<16xf32>,
      tpu.vector_store_idx %arg9[%get3A_429], %get3A_431 {add = true} : memref<100000xf32, #tpu.memory_space<vmem>>[vector<16xi32>], vector<16xf32>,
      %get3A_432 = arith.constant 64 : index
      %get3A_433 = tpu.vector_load %arg7[%get3A_432] {strides = array<i32>} : memref<208xi32, #tpu.memory_space<vmem>>, vector<16xi32>,
      %get3A_434 = arith.constant 64 : index
      %get3A_435 = tpu.vector_load %arg8[%get3A_434] {strides = array<i32>} : memref<208xf32, #tpu.memory_space<vmem>>, vector<16xf32>,
      tpu.vector_store_idx %arg9[%get3A_433], %get3A_435 {add = true} : memref<100000xf32, #tpu.memory_space<vmem>>[vector<16xi32>], vector<16xf32>,
      %get3A_436 = arith.constant 80 : index
      %get3A_437 = tpu.vector_load %arg7[%get3A_436] {strides = array<i32>} : memref<208xi32, #tpu.memory_space<vmem>>, vector<16xi32>,
      %get3A_438 = arith.constant 80 : index
      %get3A_439 = tpu.vector_load %arg8[%get3A_438] {strides = array<i32>} : memref<208xf32, #tpu.memory_space<vmem>>, vector<16xf32>,
      tpu.vector_store_idx %arg9[%get3A_437], %get3A_439 {add = true} : memref<100000xf32, #tpu.memory_space<vmem>>[vector<16xi32>], vector<16xf32>,
      %get3A_440 = arith.constant 96 : index
      %get3A_441 = tpu.vector_load %arg7[%get3A_440] {strides = array<i32>} : memref<208xi32, #tpu.memory_space<vmem>>, vector<16xi32>,
      %get3A_442 = arith.constant 96 : index
      %get3A_443 = tpu.vector_load %arg8[%get3A_442] {strides = array<i32>} : memref<208xf32, #tpu.memory_space<vmem>>, vector<16xf32>,
      tpu.vector_store_idx %arg9[%get3A_441], %get3A_443 {add = true} : memref<100000xf32, #tpu.memory_space<vmem>>[vector<16xi32>], vector<16xf32>,
      %get3A_444 = arith.constant 112 : index
      %get3A_445 = tpu.vector_load %arg7[%get3A_444] {strides = array<i32>} : memref<208xi32, #tpu.memory_space<vmem>>, vector<16xi32>,
      %get3A_446 = arith.constant 112 : index
      %get3A_447 = tpu.vector_load %arg8[%get3A_446] {strides = array<i32>} : memref<208xf32, #tpu.memory_space<vmem>>, vector<16xf32>,
      tpu.vector_store_idx %arg9[%get3A_445], %get3A_447 {add = true} : memref<100000xf32, #tpu.memory_space<vmem>>[vector<16xi32>], vector<16xf32>,
      %get3A_448 = arith.constant 128 : index
      %get3A_449 = tpu.vector_load %arg7[%get3A_448] {strides = array<i32>} : memref<208xi32, #tpu.memory_space<vmem>>, vector<16xi32>,
      %get3A_450 = arith.constant 128 : index
      %get3A_451 = tpu.vector_load %arg8[%get3A_450] {strides = array<i32>} : memref<208xf32, #tpu.memory_space<vmem>>, vector<16xf32>,
      tpu.vector_store_idx %arg9[%get3A_449], %get3A_451 {add = true} : memref<100000xf32, #tpu.memory_space<vmem>>[vector<16xi32>], vector<16xf32>,
      %get3A_452 = arith.constant 144 : index
      %get3A_453 = tpu.vector_load %arg7[%get3A_452] {strides = array<i32>} : memref<208xi32, #tpu.memory_space<vmem>>, vector<16xi32>,
      %get3A_454 = arith.constant 144 : index
      %get3A_455 = tpu.vector_load %arg8[%get3A_454] {strides = array<i32>} : memref<208xf32, #tpu.memory_space<vmem>>, vector<16xf32>,
      tpu.vector_store_idx %arg9[%get3A_453], %get3A_455 {add = true} : memref<100000xf32, #tpu.memory_space<vmem>>[vector<16xi32>], vector<16xf32>,
      %get3A_456 = arith.constant 160 : index
      %get3A_457 = tpu.vector_load %arg7[%get3A_456] {strides = array<i32>} : memref<208xi32, #tpu.memory_space<vmem>>, vector<16xi32>,
      %get3A_458 = arith.constant 160 : index
      %get3A_459 = tpu.vector_load %arg8[%get3A_458] {strides = array<i32>} : memref<208xf32, #tpu.memory_space<vmem>>, vector<16xf32>,
      tpu.vector_store_idx %arg9[%get3A_457], %get3A_459 {add = true} : memref<100000xf32, #tpu.memory_space<vmem>>[vector<16xi32>], vector<16xf32>,
      %get3A_460 = arith.constant 176 : index
      %get3A_461 = tpu.vector_load %arg7[%get3A_460] {strides = array<i32>} : memref<208xi32, #tpu.memory_space<vmem>>, vector<16xi32>,
      %get3A_462 = arith.constant 176 : index
      %get3A_463 = tpu.vector_load %arg8[%get3A_462] {strides = array<i32>} : memref<208xf32, #tpu.memory_space<vmem>>, vector<16xf32>,
      tpu.vector_store_idx %arg9[%get3A_461], %get3A_463 {add = true} : memref<100000xf32, #tpu.memory_space<vmem>>[vector<16xi32>], vector<16xf32>,
      %get3A_464 = arith.constant 192 : index
      %get3A_465 = tpu.vector_load %arg7[%get3A_464] {strides = array<i32>} : memref<208xi32, #tpu.memory_space<vmem>>, vector<16xi32>,
      %get3A_466 = arith.constant 192 : index
      %get3A_467 = tpu.vector_load %arg8[%get3A_466] {strides = array<i32>} : memref<208xf32, #tpu.memory_space<vmem>>, vector<16xf32>,
      tpu.vector_store_idx %arg9[%get3A_465], %get3A_467 {add = true} : memref<100000xf32, #tpu.memory_space<vmem>>[vector<16xi32>], vector<16xf32>,
      %dma_start3A_468 = arith.constant 0 : i32
      %dma_start3A_469 = tpu.memref_slice %arg4[%add3A_347, %dma_start3A_468] : memref<1024x100000xf32, #tpu.memory_space<hbm>> -> memref<1x100000xf32, #tpu.memory_space<hbm>>
      %dma_start3A_470 = tpu.memref_squeeze %dma_start3A_469 : memref<1x100000xf32, #tpu.memory_space<hbm>> -> memref<100000xf32, #tpu.memory_space<hbm>>
      %dma_start3A_471 = arith.constant 0 : i32
      %dma_start3A_472 = tpu.memref_slice %arg4[%add3A_347, %dma_start3A_471] : memref<1024x100000xf32, #tpu.memory_space<hbm>> -> memref<1x100000xf32, #tpu.memory_space<hbm>>
      %dma_start3A_473 = tpu.memref_squeeze %dma_start3A_472 : memref<1x100000xf32, #tpu.memory_space<hbm>> -> memref<100000xf32, #tpu.memory_space<hbm>>
      tpu.enqueue_dma source(%arg9 : memref<100000xf32, #tpu.memory_space<vmem>>) target(%dma_start3A_473 : memref<100000xf32, #tpu.memory_space<hbm>>) target_semaphore(%arg10 : memref<!tpu.dma_semaphore, #tpu.memory_space<semaphore_mem>>)
      %dma_wait3A_474 = arith.constant 0 : i32
      %dma_wait3A_475 = tpu.memref_slice %arg4[%add3A_347, %dma_wait3A_474] : memref<1024x100000xf32, #tpu.memory_space<hbm>> -> memref<1x100000xf32, #tpu.memory_space<hbm>>
      %dma_wait3A_476 = tpu.memref_squeeze %dma_wait3A_475 : memref<1x100000xf32, #tpu.memory_space<hbm>> -> memref<100000xf32, #tpu.memory_space<hbm>>
      %dma_wait3A_477 = arith.constant 0 : i32
      %dma_wait3A_478 = tpu.memref_slice %arg4[%add3A_347, %dma_wait3A_477] : memref<1024x100000xf32, #tpu.memory_space<hbm>> -> memref<1x100000xf32, #tpu.memory_space<hbm>>
      %dma_wait3A_479 = tpu.memref_squeeze %dma_wait3A_478 : memref<1x100000xf32, #tpu.memory_space<hbm>> -> memref<100000xf32, #tpu.memory_space<hbm>>
      tpu.wait_dma2 semaphore(%arg10 : memref<!tpu.dma_semaphore, #tpu.memory_space<semaphore_mem>>) src(%arg9 : memref<100000xf32, #tpu.memory_space<vmem>>) dst(%dma_wait3A_479 : memref<100000xf32, #tpu.memory_space<hbm>>)
      %get3A_480 = arith.constant 0 : index
      %get3A_481 = tpu.vector_load %arg7[%get3A_480] {strides = array<i32>} : memref<208xi32, #tpu.memory_space<vmem>>, vector<16xi32>,
      tpu.vector_store_idx %arg9[%get3A_481], %broadcast_in_dim3A_5 : memref<100000xf32, #tpu.memory_space<vmem>>[vector<16xi32>], vector<16xf32>,
      %get3A_482 = arith.constant 16 : index
      %get3A_483 = tpu.vector_load %arg7[%get3A_482] {strides = array<i32>} : memref<208xi32, #tpu.memory_space<vmem>>, vector<16xi32>,
      tpu.vector_store_idx %arg9[%get3A_483], %broadcast_in_dim3A_5 : memref<100000xf32, #tpu.memory_space<vmem>>[vector<16xi32>], vector<16xf32>,
      %get3A_484 = arith.constant 32 : index
      %get3A_485 = tpu.vector_load %arg7[%get3A_484] {strides = array<i32>} : memref<208xi32, #tpu.memory_space<vmem>>, vector<16xi32>,
      tpu.vector_store_idx %arg9[%get3A_485], %broadcast_in_dim3A_5 : memref<100000xf32, #tpu.memory_space<vmem>>[vector<16xi32>], vector<16xf32>,
      %get3A_486 = arith.constant 48 : index
      %get3A_487 = tpu.vector_load %arg7[%get3A_486] {strides = array<i32>} : memref<208xi32, #tpu.memory_space<vmem>>, vector<16xi32>,
      tpu.vector_store_idx %arg9[%get3A_487], %broadcast_in_dim3A_5 : memref<100000xf32, #tpu.memory_space<vmem>>[vector<16xi32>], vector<16xf32>,
      %get3A_488 = arith.constant 64 : index
      %get3A_489 = tpu.vector_load %arg7[%get3A_488] {strides = array<i32>} : memref<208xi32, #tpu.memory_space<vmem>>, vector<16xi32>,
      tpu.vector_store_idx %arg9[%get3A_489], %broadcast_in_dim3A_5 : memref<100000xf32, #tpu.memory_space<vmem>>[vector<16xi32>], vector<16xf32>,
      %get3A_490 = arith.constant 80 : index
      %get3A_491 = tpu.vector_load %arg7[%get3A_490] {strides = array<i32>} : memref<208xi32, #tpu.memory_space<vmem>>, vector<16xi32>,
      tpu.vector_store_idx %arg9[%get3A_491], %broadcast_in_dim3A_5 : memref<100000xf32, #tpu.memory_space<vmem>>[vector<16xi32>], vector<16xf32>,
      %get3A_492 = arith.constant 96 : index
      %get3A_493 = tpu.vector_load %arg7[%get3A_492] {strides = array<i32>} : memref<208xi32, #tpu.memory_space<vmem>>, vector<16xi32>,
      tpu.vector_store_idx %arg9[%get3A_493], %broadcast_in_dim3A_5 : memref<100000xf32, #tpu.memory_space<vmem>>[vector<16xi32>], vector<16xf32>,
      %get3A_494 = arith.constant 112 : index
      %get3A_495 = tpu.vector_load %arg7[%get3A_494] {strides = array<i32>} : memref<208xi32, #tpu.memory_space<vmem>>, vector<16xi32>,
      tpu.vector_store_idx %arg9[%get3A_495], %broadcast_in_dim3A_5 : memref<100000xf32, #tpu.memory_space<vmem>>[vector<16xi32>], vector<16xf32>,
      %get3A_496 = arith.constant 128 : index
      %get3A_497 = tpu.vector_load %arg7[%get3A_496] {strides = array<i32>} : memref<208xi32, #tpu.memory_space<vmem>>, vector<16xi32>,
      tpu.vector_store_idx %arg9[%get3A_497], %broadcast_in_dim3A_5 : memref<100000xf32, #tpu.memory_space<vmem>>[vector<16xi32>], vector<16xf32>,
      %get3A_498 = arith.constant 144 : index
      %get3A_499 = tpu.vector_load %arg7[%get3A_498] {strides = array<i32>} : memref<208xi32, #tpu.memory_space<vmem>>, vector<16xi32>,
      tpu.vector_store_idx %arg9[%get3A_499], %broadcast_in_dim3A_5 : memref<100000xf32, #tpu.memory_space<vmem>>[vector<16xi32>], vector<16xf32>,
      %get3A_500 = arith.constant 160 : index
      %get3A_501 = tpu.vector_load %arg7[%get3A_500] {strides = array<i32>} : memref<208xi32, #tpu.memory_space<vmem>>, vector<16xi32>,
      tpu.vector_store_idx %arg9[%get3A_501], %broadcast_in_dim3A_5 : memref<100000xf32, #tpu.memory_space<vmem>>[vector<16xi32>], vector<16xf32>,
      %get3A_502 = arith.constant 176 : index
      %get3A_503 = tpu.vector_load %arg7[%get3A_502] {strides = array<i32>} : memref<208xi32, #tpu.memory_space<vmem>>, vector<16xi32>,
      tpu.vector_store_idx %arg9[%get3A_503], %broadcast_in_dim3A_5 : memref<100000xf32, #tpu.memory_space<vmem>>[vector<16xi32>], vector<16xf32>,
      %get3A_504 = arith.constant 192 : index
      %get3A_505 = tpu.vector_load %arg7[%get3A_504] {strides = array<i32>} : memref<208xi32, #tpu.memory_space<vmem>>, vector<16xi32>,
      tpu.vector_store_idx %arg9[%get3A_505], %broadcast_in_dim3A_5 : memref<100000xf32, #tpu.memory_space<vmem>>[vector<16xi32>], vector<16xf32>,
      %add3A_506 = arith.constant 1 : i32
      %add3A_507 = arith.addi %add3A_349, %add3A_506 : i32
      %add3A_508 = arith.constant 32 : i32
      %add3A_509 = arith.addi %mul3A_2, %add3A_508 : i32
      %lt3A = arith.cmpi slt, %add3A_507, %add3A_509 : i32
      %convert_element_type3A = arith.extui %lt3A : i1 to i32
      %cond3A = arith.constant 0 : i32
      %cond3A_510 = arith.cmpi ne, %convert_element_type3A, %cond3A : i32
      scf.if %cond3A_510 {
        %add3A_585 = arith.constant 1 : i32
        %add3A_586 = arith.addi %add3A_349, %add3A_585 : i32
        %mul3A_587 = arith.constant 200 : i32
        %mul3A_588 = arith.muli %add3A_586, %mul3A_587 : i32
        %dma_start3A_589 = arith.constant 0 : i32
        %dma_start3A_590 = tpu.memref_slice %arg7[%dma_start3A_589] : memref<208xi32, #tpu.memory_space<vmem>> -> memref<200xi32, #tpu.memory_space<vmem>>
        %dma_start3A_591 = tpu.memref_slice %arg2[%mul3A_588] : memref<204800xi32, #tpu.memory_space<hbm>> -> memref<200xi32, #tpu.memory_space<hbm>>
        %dma_start3A_592 = arith.constant 0 : i32
        %dma_start3A_593 = tpu.memref_slice %arg7[%dma_start3A_592] : memref<208xi32, #tpu.memory_space<vmem>> -> memref<200xi32, #tpu.memory_space<vmem>>
        %dma_start3A_594 = tpu.memref_slice %arg2[%mul3A_588] : memref<204800xi32, #tpu.memory_space<hbm>> -> memref<200xi32, #tpu.memory_space<hbm>>
        tpu.enqueue_dma source(%dma_start3A_594 : memref<200xi32, #tpu.memory_space<hbm>>) target(%dma_start3A_593 : memref<200xi32, #tpu.memory_space<vmem>>) target_semaphore(%arg13 : memref<!tpu.dma_semaphore, #tpu.memory_space<semaphore_mem>>)
        %mul3A_595 = arith.constant 200 : i32
        %mul3A_596 = arith.muli %add3A_586, %mul3A_595 : i32
        %dma_start3A_597 = arith.constant 0 : i32
        %dma_start3A_598 = tpu.memref_slice %arg8[%dma_start3A_597] : memref<208xf32, #tpu.memory_space<vmem>> -> memref<200xf32, #tpu.memory_space<vmem>>
        %dma_start3A_599 = tpu.memref_slice %arg3[%mul3A_596] : memref<204800xf32, #tpu.memory_space<hbm>> -> memref<200xf32, #tpu.memory_space<hbm>>
        %dma_start3A_600 = arith.constant 0 : i32
        %dma_start3A_601 = tpu.memref_slice %arg8[%dma_start3A_600] : memref<208xf32, #tpu.memory_space<vmem>> -> memref<200xf32, #tpu.memory_space<vmem>>
        %dma_start3A_602 = tpu.memref_slice %arg3[%mul3A_596] : memref<204800xf32, #tpu.memory_space<hbm>> -> memref<200xf32, #tpu.memory_space<hbm>>
        tpu.enqueue_dma source(%dma_start3A_602 : memref<200xf32, #tpu.memory_space<hbm>>) target(%dma_start3A_601 : memref<200xf32, #tpu.memory_space<vmem>>) target_semaphore(%arg14 : memref<!tpu.dma_semaphore, #tpu.memory_space<semaphore_mem>>)
      } else {
      }
      %mul3A_511 = arith.constant 200 : i32
      %mul3A_512 = arith.muli %add3A_349, %mul3A_511 : i32
      %dma_wait3A_513 = arith.constant 0 : i32
      %dma_wait3A_514 = tpu.memref_slice %arg5[%dma_wait3A_513] : memref<208xi32, #tpu.memory_space<vmem>> -> memref<200xi32, #tpu.memory_space<vmem>>
      %dma_wait3A_515 = tpu.memref_slice %arg2[%mul3A_512] : memref<204800xi32, #tpu.memory_space<hbm>> -> memref<200xi32, #tpu.memory_space<hbm>>
      %dma_wait3A_516 = arith.constant 0 : i32
      %dma_wait3A_517 = tpu.memref_slice %arg5[%dma_wait3A_516] : memref<208xi32, #tpu.memory_space<vmem>> -> memref<200xi32, #tpu.memory_space<vmem>>
      %dma_wait3A_518 = tpu.memref_slice %arg2[%mul3A_512] : memref<204800xi32, #tpu.memory_space<hbm>> -> memref<200xi32, #tpu.memory_space<hbm>>
      tpu.wait_dma2 semaphore(%arg11 : memref<!tpu.dma_semaphore, #tpu.memory_space<semaphore_mem>>) src(%dma_wait3A_518 : memref<200xi32, #tpu.memory_space<hbm>>) dst(%dma_wait3A_517 : memref<200xi32, #tpu.memory_space<vmem>>)
      %mul3A_519 = arith.constant 200 : i32
      %mul3A_520 = arith.muli %add3A_349, %mul3A_519 : i32
      %dma_wait3A_521 = arith.constant 0 : i32
      %dma_wait3A_522 = tpu.memref_slice %arg6[%dma_wait3A_521] : memref<208xf32, #tpu.memory_space<vmem>> -> memref<200xf32, #tpu.memory_space<vmem>>
      %dma_wait3A_523 = tpu.memref_slice %arg3[%mul3A_520] : memref<204800xf32, #tpu.memory_space<hbm>> -> memref<200xf32, #tpu.memory_space<hbm>>
      %dma_wait3A_524 = arith.constant 0 : i32
      %dma_wait3A_525 = tpu.memref_slice %arg6[%dma_wait3A_524] : memref<208xf32, #tpu.memory_space<vmem>> -> memref<200xf32, #tpu.memory_space<vmem>>
      %dma_wait3A_526 = tpu.memref_slice %arg3[%mul3A_520] : memref<204800xf32, #tpu.memory_space<hbm>> -> memref<200xf32, #tpu.memory_space<hbm>>
      tpu.wait_dma2 semaphore(%arg12 : memref<!tpu.dma_semaphore, #tpu.memory_space<semaphore_mem>>) src(%dma_wait3A_526 : memref<200xf32, #tpu.memory_space<hbm>>) dst(%dma_wait3A_525 : memref<200xf32, #tpu.memory_space<vmem>>)
      %get3A_527 = arith.constant 0 : index
      %get3A_528 = tpu.vector_load %arg5[%get3A_527] {strides = array<i32>} : memref<208xi32, #tpu.memory_space<vmem>>, vector<16xi32>,
      %get3A_529 = arith.constant 0 : index
      %get3A_530 = tpu.vector_load %arg6[%get3A_529] {strides = array<i32>} : memref<208xf32, #tpu.memory_space<vmem>>, vector<16xf32>,
      tpu.vector_store_idx %arg9[%get3A_528], %get3A_530 {add = true} : memref<100000xf32, #tpu.memory_space<vmem>>[vector<16xi32>], vector<16xf32>,
      %get3A_531 = arith.constant 16 : index
      %get3A_532 = tpu.vector_load %arg5[%get3A_531] {strides = array<i32>} : memref<208xi32, #tpu.memory_space<vmem>>, vector<16xi32>,
      %get3A_533 = arith.constant 16 : index
      %get3A_534 = tpu.vector_load %arg6[%get3A_533] {strides = array<i32>} : memref<208xf32, #tpu.memory_space<vmem>>, vector<16xf32>,
      tpu.vector_store_idx %arg9[%get3A_532], %get3A_534 {add = true} : memref<100000xf32, #tpu.memory_space<vmem>>[vector<16xi32>], vector<16xf32>,
      %get3A_535 = arith.constant 32 : index
      %get3A_536 = tpu.vector_load %arg5[%get3A_535] {strides = array<i32>} : memref<208xi32, #tpu.memory_space<vmem>>, vector<16xi32>,
      %get3A_537 = arith.constant 32 : index
      %get3A_538 = tpu.vector_load %arg6[%get3A_537] {strides = array<i32>} : memref<208xf32, #tpu.memory_space<vmem>>, vector<16xf32>,
      tpu.vector_store_idx %arg9[%get3A_536], %get3A_538 {add = true} : memref<100000xf32, #tpu.memory_space<vmem>>[vector<16xi32>], vector<16xf32>,
      %get3A_539 = arith.constant 48 : index
      %get3A_540 = tpu.vector_load %arg5[%get3A_539] {strides = array<i32>} : memref<208xi32, #tpu.memory_space<vmem>>, vector<16xi32>,
      %get3A_541 = arith.constant 48 : index
      %get3A_542 = tpu.vector_load %arg6[%get3A_541] {strides = array<i32>} : memref<208xf32, #tpu.memory_space<vmem>>, vector<16xf32>,
      tpu.vector_store_idx %arg9[%get3A_540], %get3A_542 {add = true} : memref<100000xf32, #tpu.memory_space<vmem>>[vector<16xi32>], vector<16xf32>,
      %get3A_543 = arith.constant 64 : index
      %get3A_544 = tpu.vector_load %arg5[%get3A_543] {strides = array<i32>} : memref<208xi32, #tpu.memory_space<vmem>>, vector<16xi32>,
      %get3A_545 = arith.constant 64 : index
      %get3A_546 = tpu.vector_load %arg6[%get3A_545] {strides = array<i32>} : memref<208xf32, #tpu.memory_space<vmem>>, vector<16xf32>,
      tpu.vector_store_idx %arg9[%get3A_544], %get3A_546 {add = true} : memref<100000xf32, #tpu.memory_space<vmem>>[vector<16xi32>], vector<16xf32>,
      %get3A_547 = arith.constant 80 : index
      %get3A_548 = tpu.vector_load %arg5[%get3A_547] {strides = array<i32>} : memref<208xi32, #tpu.memory_space<vmem>>, vector<16xi32>,
      %get3A_549 = arith.constant 80 : index
      %get3A_550 = tpu.vector_load %arg6[%get3A_549] {strides = array<i32>} : memref<208xf32, #tpu.memory_space<vmem>>, vector<16xf32>,
      tpu.vector_store_idx %arg9[%get3A_548], %get3A_550 {add = true} : memref<100000xf32, #tpu.memory_space<vmem>>[vector<16xi32>], vector<16xf32>,
      %get3A_551 = arith.constant 96 : index
      %get3A_552 = tpu.vector_load %arg5[%get3A_551] {strides = array<i32>} : memref<208xi32, #tpu.memory_space<vmem>>, vector<16xi32>,
      %get3A_553 = arith.constant 96 : index
      %get3A_554 = tpu.vector_load %arg6[%get3A_553] {strides = array<i32>} : memref<208xf32, #tpu.memory_space<vmem>>, vector<16xf32>,
      tpu.vector_store_idx %arg9[%get3A_552], %get3A_554 {add = true} : memref<100000xf32, #tpu.memory_space<vmem>>[vector<16xi32>], vector<16xf32>,
      %get3A_555 = arith.constant 112 : index
      %get3A_556 = tpu.vector_load %arg5[%get3A_555] {strides = array<i32>} : memref<208xi32, #tpu.memory_space<vmem>>, vector<16xi32>,
      %get3A_557 = arith.constant 112 : index
      %get3A_558 = tpu.vector_load %arg6[%get3A_557] {strides = array<i32>} : memref<208xf32, #tpu.memory_space<vmem>>, vector<16xf32>,
      tpu.vector_store_idx %arg9[%get3A_556], %get3A_558 {add = true} : memref<100000xf32, #tpu.memory_space<vmem>>[vector<16xi32>], vector<16xf32>,
      %get3A_559 = arith.constant 128 : index
      %get3A_560 = tpu.vector_load %arg5[%get3A_559] {strides = array<i32>} : memref<208xi32, #tpu.memory_space<vmem>>, vector<16xi32>,
      %get3A_561 = arith.constant 128 : index
      %get3A_562 = tpu.vector_load %arg6[%get3A_561] {strides = array<i32>} : memref<208xf32, #tpu.memory_space<vmem>>, vector<16xf32>,
      tpu.vector_store_idx %arg9[%get3A_560], %get3A_562 {add = true} : memref<100000xf32, #tpu.memory_space<vmem>>[vector<16xi32>], vector<16xf32>,
      %get3A_563 = arith.constant 144 : index
      %get3A_564 = tpu.vector_load %arg5[%get3A_563] {strides = array<i32>} : memref<208xi32, #tpu.memory_space<vmem>>, vector<16xi32>,
      %get3A_565 = arith.constant 144 : index
      %get3A_566 = tpu.vector_load %arg6[%get3A_565] {strides = array<i32>} : memref<208xf32, #tpu.memory_space<vmem>>, vector<16xf32>,
      tpu.vector_store_idx %arg9[%get3A_564], %get3A_566 {add = true} : memref<100000xf32, #tpu.memory_space<vmem>>[vector<16xi32>], vector<16xf32>,
      %get3A_567 = arith.constant 160 : index
      %get3A_568 = tpu.vector_load %arg5[%get3A_567] {strides = array<i32>} : memref<208xi32, #tpu.memory_space<vmem>>, vector<16xi32>,
      %get3A_569 = arith.constant 160 : index
      %get3A_570 = tpu.vector_load %arg6[%get3A_569] {strides = array<i32>} : memref<208xf32, #tpu.memory_space<vmem>>, vector<16xf32>,
      tpu.vector_store_idx %arg9[%get3A_568], %get3A_570 {add = true} : memref<100000xf32, #tpu.memory_space<vmem>>[vector<16xi32>], vector<16xf32>,
      %get3A_571 = arith.constant 176 : index
      %get3A_572 = tpu.vector_load %arg5[%get3A_571] {strides = array<i32>} : memref<208xi32, #tpu.memory_space<vmem>>, vector<16xi32>,
      %get3A_573 = arith.constant 176 : index
      %get3A_574 = tpu.vector_load %arg6[%get3A_573] {strides = array<i32>} : memref<208xf32, #tpu.memory_space<vmem>>, vector<16xf32>,
      tpu.vector_store_idx %arg9[%get3A_572], %get3A_574 {add = true} : memref<100000xf32, #tpu.memory_space<vmem>>[vector<16xi32>], vector<16xf32>,
      %get3A_575 = arith.constant 192 : index
      %get3A_576 = tpu.vector_load %arg5[%get3A_575] {strides = array<i32>} : memref<208xi32, #tpu.memory_space<vmem>>, vector<16xi32>,
      %get3A_577 = arith.constant 192 : index
      %get3A_578 = tpu.vector_load %arg6[%get3A_577] {strides = array<i32>} : memref<208xf32, #tpu.memory_space<vmem>>, vector<16xf32>,
      tpu.vector_store_idx %arg9[%get3A_576], %get3A_578 {add = true} : memref<100000xf32, #tpu.memory_space<vmem>>[vector<16xi32>], vector<16xf32>,
      %dma_start3A_579 = arith.constant 0 : i32
      %dma_start3A_580 = tpu.memref_slice %arg4[%add3A_349, %dma_start3A_579] : memref<1024x100000xf32, #tpu.memory_space<hbm>> -> memref<1x100000xf32, #tpu.memory_space<hbm>>
      %dma_start3A_581 = tpu.memref_squeeze %dma_start3A_580 : memref<1x100000xf32, #tpu.memory_space<hbm>> -> memref<100000xf32, #tpu.memory_space<hbm>>
      %dma_start3A_582 = arith.constant 0 : i32
      %dma_start3A_583 = tpu.memref_slice %arg4[%add3A_349, %dma_start3A_582] : memref<1024x100000xf32, #tpu.memory_space<hbm>> -> memref<1x100000xf32, #tpu.memory_space<hbm>>
      %dma_start3A_584 = tpu.memref_squeeze %dma_start3A_583 : memref<1x100000xf32, #tpu.memory_space<hbm>> -> memref<100000xf32, #tpu.memory_space<hbm>>
      tpu.enqueue_dma source(%arg9 : memref<100000xf32, #tpu.memory_space<vmem>>) target(%dma_start3A_584 : memref<100000xf32, #tpu.memory_space<hbm>>) target_semaphore(%arg10 : memref<!tpu.dma_semaphore, #tpu.memory_space<semaphore_mem>>)
    }
    %scan3A_224 = arith.constant 15 : i32
    %add3A_225 = arith.constant 32 : i32
    %add3A_226 = arith.addi %mul3A_2, %add3A_225 : i32
    %sub3A = arith.constant 1 : i32
    %sub3A_227 = arith.subi %add3A_226, %sub3A : i32
    %sub3A_228 = arith.constant 1 : i32
    %sub3A_229 = arith.subi %sub3A_227, %sub3A_228 : i32
    %dma_wait3A_230 = arith.constant 0 : i32
    %dma_wait3A_231 = tpu.memref_slice %arg4[%sub3A_229, %dma_wait3A_230] : memref<1024x100000xf32, #tpu.memory_space<hbm>> -> memref<1x100000xf32, #tpu.memory_space<hbm>>
    %dma_wait3A_232 = tpu.memref_squeeze %dma_wait3A_231 : memref<1x100000xf32, #tpu.memory_space<hbm>> -> memref<100000xf32, #tpu.memory_space<hbm>>
    %dma_wait3A_233 = arith.constant 0 : i32
    %dma_wait3A_234 = tpu.memref_slice %arg4[%sub3A_229, %dma_wait3A_233] : memref<1024x100000xf32, #tpu.memory_space<hbm>> -> memref<1x100000xf32, #tpu.memory_space<hbm>>
    %dma_wait3A_235 = tpu.memref_squeeze %dma_wait3A_234 : memref<1x100000xf32, #tpu.memory_space<hbm>> -> memref<100000xf32, #tpu.memory_space<hbm>>
    tpu.wait_dma2 semaphore(%arg10 : memref<!tpu.dma_semaphore, #tpu.memory_space<semaphore_mem>>) src(%arg9 : memref<100000xf32, #tpu.memory_space<vmem>>) dst(%dma_wait3A_235 : memref<100000xf32, #tpu.memory_space<hbm>>)
    %get3A_236 = arith.constant 0 : index
    %get3A_237 = tpu.vector_load %arg5[%get3A_236] {strides = array<i32>} : memref<208xi32, #tpu.memory_space<vmem>>, vector<16xi32>,
    tpu.vector_store_idx %arg9[%get3A_237], %broadcast_in_dim3A_5 : memref<100000xf32, #tpu.memory_space<vmem>>[vector<16xi32>], vector<16xf32>,
    %get3A_238 = arith.constant 16 : index
    %get3A_239 = tpu.vector_load %arg5[%get3A_238] {strides = array<i32>} : memref<208xi32, #tpu.memory_space<vmem>>, vector<16xi32>,
    tpu.vector_store_idx %arg9[%get3A_239], %broadcast_in_dim3A_5 : memref<100000xf32, #tpu.memory_space<vmem>>[vector<16xi32>], vector<16xf32>,
    %get3A_240 = arith.constant 32 : index
    %get3A_241 = tpu.vector_load %arg5[%get3A_240] {strides = array<i32>} : memref<208xi32, #tpu.memory_space<vmem>>, vector<16xi32>,
    tpu.vector_store_idx %arg9[%get3A_241], %broadcast_in_dim3A_5 : memref<100000xf32, #tpu.memory_space<vmem>>[vector<16xi32>], vector<16xf32>,
    %get3A_242 = arith.constant 48 : index
    %get3A_243 = tpu.vector_load %arg5[%get3A_242] {strides = array<i32>} : memref<208xi32, #tpu.memory_space<vmem>>, vector<16xi32>,
    tpu.vector_store_idx %arg9[%get3A_243], %broadcast_in_dim3A_5 : memref<100000xf32, #tpu.memory_space<vmem>>[vector<16xi32>], vector<16xf32>,
    %get3A_244 = arith.constant 64 : index
    %get3A_245 = tpu.vector_load %arg5[%get3A_244] {strides = array<i32>} : memref<208xi32, #tpu.memory_space<vmem>>, vector<16xi32>,
    tpu.vector_store_idx %arg9[%get3A_245], %broadcast_in_dim3A_5 : memref<100000xf32, #tpu.memory_space<vmem>>[vector<16xi32>], vector<16xf32>,
    %get3A_246 = arith.constant 80 : index
    %get3A_247 = tpu.vector_load %arg5[%get3A_246] {strides = array<i32>} : memref<208xi32, #tpu.memory_space<vmem>>, vector<16xi32>,
    tpu.vector_store_idx %arg9[%get3A_247], %broadcast_in_dim3A_5 : memref<100000xf32, #tpu.memory_space<vmem>>[vector<16xi32>], vector<16xf32>,
    %get3A_248 = arith.constant 96 : index
    %get3A_249 = tpu.vector_load %arg5[%get3A_248] {strides = array<i32>} : memref<208xi32, #tpu.memory_space<vmem>>, vector<16xi32>,
    tpu.vector_store_idx %arg9[%get3A_249], %broadcast_in_dim3A_5 : memref<100000xf32, #tpu.memory_space<vmem>>[vector<16xi32>], vector<16xf32>,
    %get3A_250 = arith.constant 112 : index
    %get3A_251 = tpu.vector_load %arg5[%get3A_250] {strides = array<i32>} : memref<208xi32, #tpu.memory_space<vmem>>, vector<16xi32>,
    tpu.vector_store_idx %arg9[%get3A_251], %broadcast_in_dim3A_5 : memref<100000xf32, #tpu.memory_space<vmem>>[vector<16xi32>], vector<16xf32>,
    %get3A_252 = arith.constant 128 : index
    %get3A_253 = tpu.vector_load %arg5[%get3A_252] {strides = array<i32>} : memref<208xi32, #tpu.memory_space<vmem>>, vector<16xi32>,
    tpu.vector_store_idx %arg9[%get3A_253], %broadcast_in_dim3A_5 : memref<100000xf32, #tpu.memory_space<vmem>>[vector<16xi32>], vector<16xf32>,
    %get3A_254 = arith.constant 144 : index
    %get3A_255 = tpu.vector_load %arg5[%get3A_254] {strides = array<i32>} : memref<208xi32, #tpu.memory_space<vmem>>, vector<16xi32>,
    tpu.vector_store_idx %arg9[%get3A_255], %broadcast_in_dim3A_5 : memref<100000xf32, #tpu.memory_space<vmem>>[vector<16xi32>], vector<16xf32>,
    %get3A_256 = arith.constant 160 : index
    %get3A_257 = tpu.vector_load %arg5[%get3A_256] {strides = array<i32>} : memref<208xi32, #tpu.memory_space<vmem>>, vector<16xi32>,
    tpu.vector_store_idx %arg9[%get3A_257], %broadcast_in_dim3A_5 : memref<100000xf32, #tpu.memory_space<vmem>>[vector<16xi32>], vector<16xf32>,
    %get3A_258 = arith.constant 176 : index
    %get3A_259 = tpu.vector_load %arg5[%get3A_258] {strides = array<i32>} : memref<208xi32, #tpu.memory_space<vmem>>, vector<16xi32>,
    tpu.vector_store_idx %arg9[%get3A_259], %broadcast_in_dim3A_5 : memref<100000xf32, #tpu.memory_space<vmem>>[vector<16xi32>], vector<16xf32>,
    %get3A_260 = arith.constant 192 : index
    %get3A_261 = tpu.vector_load %arg5[%get3A_260] {strides = array<i32>} : memref<208xi32, #tpu.memory_space<vmem>>, vector<16xi32>,
    tpu.vector_store_idx %arg9[%get3A_261], %broadcast_in_dim3A_5 : memref<100000xf32, #tpu.memory_space<vmem>>[vector<16xi32>], vector<16xf32>,
    %mul3A_262 = arith.constant 200 : i32
    %mul3A_263 = arith.muli %sub3A_227, %mul3A_262 : i32
    %dma_wait3A_264 = arith.constant 0 : i32
    %dma_wait3A_265 = tpu.memref_slice %arg7[%dma_wait3A_264] : memref<208xi32, #tpu.memory_space<vmem>> -> memref<200xi32, #tpu.memory_space<vmem>>
    %dma_wait3A_266 = tpu.memref_slice %arg2[%mul3A_263] : memref<204800xi32, #tpu.memory_space<hbm>> -> memref<200xi32, #tpu.memory_space<hbm>>
    %dma_wait3A_267 = arith.constant 0 : i32
    %dma_wait3A_268 = tpu.memref_slice %arg7[%dma_wait3A_267] : memref<208xi32, #tpu.memory_space<vmem>> -> memref<200xi32, #tpu.memory_space<vmem>>
    %dma_wait3A_269 = tpu.memref_slice %arg2[%mul3A_263] : memref<204800xi32, #tpu.memory_space<hbm>> -> memref<200xi32, #tpu.memory_space<hbm>>
    tpu.wait_dma2 semaphore(%arg13 : memref<!tpu.dma_semaphore, #tpu.memory_space<semaphore_mem>>) src(%dma_wait3A_269 : memref<200xi32, #tpu.memory_space<hbm>>) dst(%dma_wait3A_268 : memref<200xi32, #tpu.memory_space<vmem>>)
    %mul3A_270 = arith.constant 200 : i32
    %mul3A_271 = arith.muli %sub3A_227, %mul3A_270 : i32
    %dma_wait3A_272 = arith.constant 0 : i32
    %dma_wait3A_273 = tpu.memref_slice %arg8[%dma_wait3A_272] : memref<208xf32, #tpu.memory_space<vmem>> -> memref<200xf32, #tpu.memory_space<vmem>>
    %dma_wait3A_274 = tpu.memref_slice %arg3[%mul3A_271] : memref<204800xf32, #tpu.memory_space<hbm>> -> memref<200xf32, #tpu.memory_space<hbm>>
    %dma_wait3A_275 = arith.constant 0 : i32
    %dma_wait3A_276 = tpu.memref_slice %arg8[%dma_wait3A_275] : memref<208xf32, #tpu.memory_space<vmem>> -> memref<200xf32, #tpu.memory_space<vmem>>
    %dma_wait3A_277 = tpu.memref_slice %arg3[%mul3A_271] : memref<204800xf32, #tpu.memory_space<hbm>> -> memref<200xf32, #tpu.memory_space<hbm>>
    tpu.wait_dma2 semaphore(%arg14 : memref<!tpu.dma_semaphore, #tpu.memory_space<semaphore_mem>>) src(%dma_wait3A_277 : memref<200xf32, #tpu.memory_space<hbm>>) dst(%dma_wait3A_276 : memref<200xf32, #tpu.memory_space<vmem>>)
    %get3A_278 = arith.constant 0 : index
    %get3A_279 = tpu.vector_load %arg7[%get3A_278] {strides = array<i32>} : memref<208xi32, #tpu.memory_space<vmem>>, vector<16xi32>,
    %get3A_280 = arith.constant 0 : index
    %get3A_281 = tpu.vector_load %arg8[%get3A_280] {strides = array<i32>} : memref<208xf32, #tpu.memory_space<vmem>>, vector<16xf32>,
    tpu.vector_store_idx %arg9[%get3A_279], %get3A_281 {add = true} : memref<100000xf32, #tpu.memory_space<vmem>>[vector<16xi32>], vector<16xf32>,
    %get3A_282 = arith.constant 16 : index
    %get3A_283 = tpu.vector_load %arg7[%get3A_282] {strides = array<i32>} : memref<208xi32, #tpu.memory_space<vmem>>, vector<16xi32>,
    %get3A_284 = arith.constant 16 : index
    %get3A_285 = tpu.vector_load %arg8[%get3A_284] {strides = array<i32>} : memref<208xf32, #tpu.memory_space<vmem>>, vector<16xf32>,
    tpu.vector_store_idx %arg9[%get3A_283], %get3A_285 {add = true} : memref<100000xf32, #tpu.memory_space<vmem>>[vector<16xi32>], vector<16xf32>,
    %get3A_286 = arith.constant 32 : index
    %get3A_287 = tpu.vector_load %arg7[%get3A_286] {strides = array<i32>} : memref<208xi32, #tpu.memory_space<vmem>>, vector<16xi32>,
    %get3A_288 = arith.constant 32 : index
    %get3A_289 = tpu.vector_load %arg8[%get3A_288] {strides = array<i32>} : memref<208xf32, #tpu.memory_space<vmem>>, vector<16xf32>,
    tpu.vector_store_idx %arg9[%get3A_287], %get3A_289 {add = true} : memref<100000xf32, #tpu.memory_space<vmem>>[vector<16xi32>], vector<16xf32>,
    %get3A_290 = arith.constant 48 : index
    %get3A_291 = tpu.vector_load %arg7[%get3A_290] {strides = array<i32>} : memref<208xi32, #tpu.memory_space<vmem>>, vector<16xi32>,
    %get3A_292 = arith.constant 48 : index
    %get3A_293 = tpu.vector_load %arg8[%get3A_292] {strides = array<i32>} : memref<208xf32, #tpu.memory_space<vmem>>, vector<16xf32>,
    tpu.vector_store_idx %arg9[%get3A_291], %get3A_293 {add = true} : memref<100000xf32, #tpu.memory_space<vmem>>[vector<16xi32>], vector<16xf32>,
    %get3A_294 = arith.constant 64 : index
    %get3A_295 = tpu.vector_load %arg7[%get3A_294] {strides = array<i32>} : memref<208xi32, #tpu.memory_space<vmem>>, vector<16xi32>,
    %get3A_296 = arith.constant 64 : index
    %get3A_297 = tpu.vector_load %arg8[%get3A_296] {strides = array<i32>} : memref<208xf32, #tpu.memory_space<vmem>>, vector<16xf32>,
    tpu.vector_store_idx %arg9[%get3A_295], %get3A_297 {add = true} : memref<100000xf32, #tpu.memory_space<vmem>>[vector<16xi32>], vector<16xf32>,
    %get3A_298 = arith.constant 80 : index
    %get3A_299 = tpu.vector_load %arg7[%get3A_298] {strides = array<i32>} : memref<208xi32, #tpu.memory_space<vmem>>, vector<16xi32>,
    %get3A_300 = arith.constant 80 : index
    %get3A_301 = tpu.vector_load %arg8[%get3A_300] {strides = array<i32>} : memref<208xf32, #tpu.memory_space<vmem>>, vector<16xf32>,
    tpu.vector_store_idx %arg9[%get3A_299], %get3A_301 {add = true} : memref<100000xf32, #tpu.memory_space<vmem>>[vector<16xi32>], vector<16xf32>,
    %get3A_302 = arith.constant 96 : index
    %get3A_303 = tpu.vector_load %arg7[%get3A_302] {strides = array<i32>} : memref<208xi32, #tpu.memory_space<vmem>>, vector<16xi32>,
    %get3A_304 = arith.constant 96 : index
    %get3A_305 = tpu.vector_load %arg8[%get3A_304] {strides = array<i32>} : memref<208xf32, #tpu.memory_space<vmem>>, vector<16xf32>,
    tpu.vector_store_idx %arg9[%get3A_303], %get3A_305 {add = true} : memref<100000xf32, #tpu.memory_space<vmem>>[vector<16xi32>], vector<16xf32>,
    %get3A_306 = arith.constant 112 : index
    %get3A_307 = tpu.vector_load %arg7[%get3A_306] {strides = array<i32>} : memref<208xi32, #tpu.memory_space<vmem>>, vector<16xi32>,
    %get3A_308 = arith.constant 112 : index
    %get3A_309 = tpu.vector_load %arg8[%get3A_308] {strides = array<i32>} : memref<208xf32, #tpu.memory_space<vmem>>, vector<16xf32>,
    tpu.vector_store_idx %arg9[%get3A_307], %get3A_309 {add = true} : memref<100000xf32, #tpu.memory_space<vmem>>[vector<16xi32>], vector<16xf32>,
    %get3A_310 = arith.constant 128 : index
    %get3A_311 = tpu.vector_load %arg7[%get3A_310] {strides = array<i32>} : memref<208xi32, #tpu.memory_space<vmem>>, vector<16xi32>,
    %get3A_312 = arith.constant 128 : index
    %get3A_313 = tpu.vector_load %arg8[%get3A_312] {strides = array<i32>} : memref<208xf32, #tpu.memory_space<vmem>>, vector<16xf32>,
    tpu.vector_store_idx %arg9[%get3A_311], %get3A_313 {add = true} : memref<100000xf32, #tpu.memory_space<vmem>>[vector<16xi32>], vector<16xf32>,
    %get3A_314 = arith.constant 144 : index
    %get3A_315 = tpu.vector_load %arg7[%get3A_314] {strides = array<i32>} : memref<208xi32, #tpu.memory_space<vmem>>, vector<16xi32>,
    %get3A_316 = arith.constant 144 : index
    %get3A_317 = tpu.vector_load %arg8[%get3A_316] {strides = array<i32>} : memref<208xf32, #tpu.memory_space<vmem>>, vector<16xf32>,
    tpu.vector_store_idx %arg9[%get3A_315], %get3A_317 {add = true} : memref<100000xf32, #tpu.memory_space<vmem>>[vector<16xi32>], vector<16xf32>,
    %get3A_318 = arith.constant 160 : index
    %get3A_319 = tpu.vector_load %arg7[%get3A_318] {strides = array<i32>} : memref<208xi32, #tpu.memory_space<vmem>>, vector<16xi32>,
    %get3A_320 = arith.constant 160 : index
    %get3A_321 = tpu.vector_load %arg8[%get3A_320] {strides = array<i32>} : memref<208xf32, #tpu.memory_space<vmem>>, vector<16xf32>,
    tpu.vector_store_idx %arg9[%get3A_319], %get3A_321 {add = true} : memref<100000xf32, #tpu.memory_space<vmem>>[vector<16xi32>], vector<16xf32>,
    %get3A_322 = arith.constant 176 : index
    %get3A_323 = tpu.vector_load %arg7[%get3A_322] {strides = array<i32>} : memref<208xi32, #tpu.memory_space<vmem>>, vector<16xi32>,
    %get3A_324 = arith.constant 176 : index
    %get3A_325 = tpu.vector_load %arg8[%get3A_324] {strides = array<i32>} : memref<208xf32, #tpu.memory_space<vmem>>, vector<16xf32>,
    tpu.vector_store_idx %arg9[%get3A_323], %get3A_325 {add = true} : memref<100000xf32, #tpu.memory_space<vmem>>[vector<16xi32>], vector<16xf32>,
    %get3A_326 = arith.constant 192 : index
    %get3A_327 = tpu.vector_load %arg7[%get3A_326] {strides = array<i32>} : memref<208xi32, #tpu.memory_space<vmem>>, vector<16xi32>,
    %get3A_328 = arith.constant 192 : index
    %get3A_329 = tpu.vector_load %arg8[%get3A_328] {strides = array<i32>} : memref<208xf32, #tpu.memory_space<vmem>>, vector<16xf32>,
    tpu.vector_store_idx %arg9[%get3A_327], %get3A_329 {add = true} : memref<100000xf32, #tpu.memory_space<vmem>>[vector<16xi32>], vector<16xf32>,
    %dma_start3A_330 = arith.constant 0 : i32
    %dma_start3A_331 = tpu.memref_slice %arg4[%sub3A_227, %dma_start3A_330] : memref<1024x100000xf32, #tpu.memory_space<hbm>> -> memref<1x100000xf32, #tpu.memory_space<hbm>>
    %dma_start3A_332 = tpu.memref_squeeze %dma_start3A_331 : memref<1x100000xf32, #tpu.memory_space<hbm>> -> memref<100000xf32, #tpu.memory_space<hbm>>
    %dma_start3A_333 = arith.constant 0 : i32
    %dma_start3A_334 = tpu.memref_slice %arg4[%sub3A_227, %dma_start3A_333] : memref<1024x100000xf32, #tpu.memory_space<hbm>> -> memref<1x100000xf32, #tpu.memory_space<hbm>>
    %dma_start3A_335 = tpu.memref_squeeze %dma_start3A_334 : memref<1x100000xf32, #tpu.memory_space<hbm>> -> memref<100000xf32, #tpu.memory_space<hbm>>
    tpu.enqueue_dma source(%arg9 : memref<100000xf32, #tpu.memory_space<vmem>>) target(%dma_start3A_335 : memref<100000xf32, #tpu.memory_space<hbm>>) target_semaphore(%arg10 : memref<!tpu.dma_semaphore, #tpu.memory_space<semaphore_mem>>)
    %dma_wait3A_336 = arith.constant 0 : i32
    %dma_wait3A_337 = tpu.memref_slice %arg4[%sub3A_227, %dma_wait3A_336] : memref<1024x100000xf32, #tpu.memory_space<hbm>> -> memref<1x100000xf32, #tpu.memory_space<hbm>>
    %dma_wait3A_338 = tpu.memref_squeeze %dma_wait3A_337 : memref<1x100000xf32, #tpu.memory_space<hbm>> -> memref<100000xf32, #tpu.memory_space<hbm>>
    %dma_wait3A_339 = arith.constant 0 : i32
    %dma_wait3A_340 = tpu.memref_slice %arg4[%sub3A_227, %dma_wait3A_339] : memref<1024x100000xf32, #tpu.memory_space<hbm>> -> memref<1x100000xf32, #tpu.memory_space<hbm>>
    %dma_wait3A_341 = tpu.memref_squeeze %dma_wait3A_340 : memref<1x100000xf32, #tpu.memory_space<hbm>> -> memref<100000xf32, #tpu.memory_space<hbm>>
    tpu.wait_dma2 semaphore(%arg10 : memref<!tpu.dma_semaphore, #tpu.memory_space<semaphore_mem>>) src(%arg9 : memref<100000xf32, #tpu.memory_space<vmem>>) dst(%dma_wait3A_341 : memref<100000xf32, #tpu.memory_space<hbm>>)
    return
  }
}

</mosaic_0001>

<sc_bundles>
// kernel: kernel.3.cloned.1.call-start
scs
__scs_entry_jumppad:
0x0: {  	(pc) =	sbr.rel $0x88, $3  }
0x1: {  	(tag) =	ssettag $0x0;
	lr =	simm.s32 $0x1  }
0x2: {  	[smem:$0x3F9F] =	sst lr;
	_ =	strace $0xD0000000  }
0x3: {  	_ = 	snop  }
0x4: {  	_ = 	snop  }
0x5: {  	_ = 	snop  }
0x6: {  	_ = 	snop  }
0x7: {  	_ = 	snop  }
__scs_overlays_trampoline_lowered:
0x8: {  	[smem:$0x3FAE] =	sst s0  }
0x9: {  	[smem:$0x3FAF] =	sst s1  }
0xa: {  	[smem:$0x3FB0] =	sst s2  }
0xb: {  	[smem:$0x3FB1] =	sst s3  }
0xc: {  	[smem:$0x3FB2] =	sst s4  }
0xd: {  	[smem:$0x3FB3] =	sst s5  }
0xe: {  	[smem:$0x3FB4] =	sst s6  }
0xf: {  	[smem:$0x3FB5] =	sst s7  }
0x10: {  	[smem:$0x3FB6] =	sst s8  }
0x11: {  	[smem:$0x3FB7] =	sst s9;
	s0 =	simm.s32 @!p0 $0x0  }
0x12: {  	s1 =	sld [smem:$0x3F9D];
	s0 =	simm.s32 @p0 $0x1  }
0x13: {  	[smem:$0x3FB8] =	sst s0;
	s0 =	simm.s32 @!p1 $0x0  }
0x14: {  	s2 =	sld [smem:$0x3F9C];
	s0 =	simm.s32 @p1 $0x1  }
0x15: {  	[smem:$0x3FB9] =	sst s0;
	s0 =	simm.s32 @!p2 $0x0  }
0x16: {  	s3 =	sld [smem:$0x3FDB];
	s0 =	simm.s32 @p2 $0x1  }
0x17: {  	s4 =	simm.s32 $0x1BF5;
	[smem:$0x3FBB] =	sst s0  }
0x18: {  	s0 =	sld [smem:$0x3F9E];
	_ =	swait.ge [sflag:s4], $0x0  }
0x19: {  	s7 =	sld [smem:$0x3F9F]  }
0x1a: {  	s8 =	sadd.s32 $0xFFFFE003, lr  }
0x1b: {  	s9 =	sadd.s32 $0xFFFFFEF7, lr;
	s5 =	simm.s32 $0xFFFFFFFF;
	p2 =	slt.u32 s8, $0xFFFFF086  }
0x1c: {  	p1 =	slt.u32 s9, $0xF7A;
	s5 =	simm.s32 @!p2 $0x0  }
0x1d: {  	s5 =	simm.s32 @p1 $0x1;
	p0 =	seq.s32 s7, s2  }
0x1e: {  	s7 =	smul.u32 @!p0 $0xF7A, s2;
	p2 =	seq.s32 @!p0 s5, $0x0  }
0x1f: {  	s9 =	smul.u32 $0xF7A, s1;
	s8 =	simm.s32 @!p0 $0x1BF5;
	p2 =	por !p2, p0  }
0x20: {  	[sflag:s8] =	ssyncset.s32 @!p0 $0xFFFFF086;
	s6 =	sadd.s32 @!p0 s3, s7;
	s7 =	simm.s32 @!p0 $0x108  }
0x21: {  	s3 =	sadd.s32 s3, s9;
	s6 =	sadd.s32 @!p0 $0x88, s6;
	s7 =	simm.s32 @p2 $0x1082  }
0x22: {  	[simem:s7], [sflag:s8] =	dma.local @!p0 [hbm:s6], $0xF7A  }
0x23: {  	s9 =	sor.u32 $0xD0000000, s2;
	s6 =	simm.s32 $0x108;
	_ =	swait.ge @!p0 [sflag:s8], $0x0  }
0x24: {  	s3 =	sadd.s32 $0x88, s3;
	s6 =	simm.s32 @!p1 $0x1082;
	[sflag:s4] =	ssyncset.s32 $0xFFFFF086  }
0x25: {  	[simem:s6], [sflag:s4] =	dma.local [hbm:s3], $0xF7A  }
0x26: {  	[smem:$0x3F9F] =	sst s1;
	(tag) =	ssettag s2;
	_ =	strace s9  }
0x27: {  	s1 =	sld [smem:$0x3FAF]  }
0x28: {  	s2 =	sld [smem:$0x3FB0]  }
0x29: {  	s4 =	sld [smem:$0x3FB2]  }
0x2a: {  	p0 =	seq.s32 s5, $0x0;
	s5 =	sld [smem:$0x3FB3]  }
0x2b: {  	s6 =	sld [smem:$0x3FB4]  }
0x2c: {  	s7 =	sld [smem:$0x3FB5]  }
0x2d: {  	s3 =	simm.s32 $0x108;
	s8 =	sld [smem:$0x3FB6]  }
0x2e: {  	s3 =	simm.s32 @!p0 $0x1082;
	s9 =	sld [smem:$0x3FB7]  }
0x2f: {  	lr =	sadd.s32 s0, s3;
	s0 =	sld [smem:$0x3FAE]  }
0x30: {  	s3 =	sld [smem:$0x3FB1]  }
0x31: {  	[smem:$0x3FBA] =	sst s10  }
0x32: {  	s10 =	sld [smem:$0x3FB8];
	_ =	sdelay $0x3  }
0x33: {  	p0 =	seq.s32 s10, $0x1;
	s10 =	sld [smem:$0x3FBA];
	_ =	sdelay $0x3  }
0x34: {  	[smem:$0x3FBA] =	sst s10  }
0x35: {  	s10 =	sld [smem:$0x3FB9];
	_ =	sdelay $0x3  }
0x36: {  	p1 =	seq.s32 s10, $0x1;
	s10 =	sld [smem:$0x3FBA];
	_ =	sdelay $0x3  }
0x37: {  	[smem:$0x3FBA] =	sst s10  }
0x38: {  	s10 =	sld [smem:$0x3FBB]  }
0x39: {  	_ = 	snop;
	(pc) =	sbr.ind lr, $3  }
0x3a: {  	_ = 	snop  }
0x3b: {  	_ = 	snop  }
0x3c: {  	p2 =	seq.s32 s10, $0x1;
	s10 =	sld [smem:$0x3FBA]  }
0x3d: {  	_ =	shalt  }
0x3e: {  	_ =	shalt  }
0x3f: {  	_ =	shalt  }
0x40: {  	_ =	shalt  }
0x41: {  	_ =	shalt  }
0x42: {  	_ =	shalt  }
0x43: {  	_ =	shalt  }
0x44: {  	_ =	shalt  }
0x45: {  	_ =	shalt  }
0x46: {  	_ =	shalt  }
0x47: {  	_ =	shalt  }
0x48: {  	_ =	shalt  }
0x49: {  	_ =	shalt  }
0x4a: {  	_ =	shalt  }
0x4b: {  	_ =	shalt  }
0x4c: {  	_ =	shalt  }
0x4d: {  	_ =	shalt  }
0x4e: {  	_ =	shalt  }
0x4f: {  	_ =	shalt  }
0x50: {  	_ =	shalt  }
0x51: {  	_ =	shalt  }
0x52: {  	_ =	shalt  }
0x53: {  	_ =	shalt  }
0x54: {  	_ =	shalt  }
0x55: {  	_ =	shalt  }
0x56: {  	_ =	shalt  }
0x57: {  	_ =	shalt  }
0x58: {  	_ =	shalt  }
0x59: {  	_ =	shalt  }
0x5a: {  	_ =	shalt  }
0x5b: {  	_ =	shalt  }
0x5c: {  	_ =	shalt  }
0x5d: {  	_ =	shalt  }
0x5e: {  	_ =	shalt  }
0x5f: {  	_ =	shalt  }
0x60: {  	_ =	shalt  }
0x61: {  	_ =	shalt  }
0x62: {  	_ =	shalt  }
0x63: {  	_ =	shalt  }
0x64: {  	_ =	shalt  }
0x65: {  	_ =	shalt  }
0x66: {  	_ =	shalt  }
0x67: {  	_ =	shalt  }
0x68: {  	_ =	shalt  }
0x69: {  	_ =	shalt  }
0x6a: {  	_ =	shalt  }
0x6b: {  	_ =	shalt  }
0x6c: {  	_ =	shalt  }
0x6d: {  	_ =	shalt  }
0x6e: {  	_ =	shalt  }
0x6f: {  	_ =	shalt  }
0x70: {  	_ =	shalt  }
0x71: {  	_ =	shalt  }
0x72: {  	_ =	shalt  }
0x73: {  	_ =	shalt  }
0x74: {  	_ =	shalt  }
0x75: {  	_ =	shalt  }
0x76: {  	_ =	shalt  }
0x77: {  	_ =	shalt  }
0x78: {  	_ =	shalt  }
0x79: {  	_ =	shalt  }
0x7a: {  	_ =	shalt  }
0x7b: {  	_ =	shalt  }
0x7c: {  	_ =	shalt  }
0x7d: {  	_ =	shalt  }
0x7e: {  	_ =	shalt  }
0x7f: {  	_ =	shalt  }
0x80: {  	_ =	shalt  }
0x81: {  	_ =	shalt  }
0x82: {  	_ =	shalt  }
0x83: {  	_ =	shalt  }
0x84: {  	_ =	shalt  }
0x85: {  	_ =	shalt  }
0x86: {  	_ =	shalt  }
0x87: {  	_ =	shalt  }
.Lfunc_end0:
.L_simem_size_0:
called_computation_lowered:
.L_overlay_start_0:
0x88: {  	s2 =	sld [smem:$0x3FD9]  }
0x89: {  	s3 =	sld [smem:$0x3FFE];
	_ =	sdelay $0x1  }
0x8a: {  	s1 =	srdreg.scid  }
0x8b: {  	s0 =	sand.u32 $0x1, s1  }
0x8c: {  	s17 =	sshll.u32 s0, $0xA;
	s2 =	sadd.s32 s3, s2  }
0x8d: {  	s2 =	sadd.s32 s2, s17  }
0x8e: {  	[smem:$0x3FC6] =	sst s2  }
0x8f: {  	_ = 	snop  }
0x90: {  	s2 =	sld [smem:$0x3FD0];
	(tm) =	ssettm $0x1  }
0x91: {  	s18 =	sld [smem:$0x3FFB];
	_ =	sdelay $0x3  }
0x92: {  	_ =	strace s18  }
0x93: {  	s3 =	sld [smem:$0x3FFC];
	_ =	sdelay $0x3  }
0x94: {  	_ =	strace s3  }
0x95: {  	s3 =	sld [smem:$0x3FFD];
	_ =	sdelay $0x3  }
0x96: {  	_ =	strace s3  }
0x97: {  	_ =	strace $0x8FFFFFFF  }
0x98: {  	s19 =	sld [smem:$0x3FDB];
	_ =	sdelay $0x1  }
0x99: {  	s4 =	simm.s32 $_scs_section_size  }
0x9a: {  	s5 =	simm.s32 $_size__tile_overlayer_lowered;
	s6 =	simm.s32 $_tile_overlayer_lowered  }
0x9b: {  	s22 =	simm.s32 $0x1BFF;
	s21 =	sshll.u32 s6, $0x1;
	s3 =	sadd.s32 s4, s19  }
0x9c: {  	s7 =	simm.s32 $0x0;
	s20 =	sshll.u32 s5, $0x1;
	s5 =	sadd.s32 s21, s3  }
0x9d: {  	[timem:s7], [sflag:s22] =	dma.local [hbm:s5], s20  }
0x9e: {  	_ =	swait.ge [sflag:s22], s20  }
0x9f: {  	s4 =	ssub.s32 $0x0, s20;
	[sflag:s22] =	ssyncset.done $0x0  }
0xa0: {  	[sflag:s22] =	ssyncadd.s32 s4;
	_ =	sdelay $0x1  }
0xa1: {  	s23 =	simm.s32 $0x1B8B  }
0xa2: {  	_ =	swait.ge [sflag:s23], $0x1  }
0xa3: {  	[sflag:s23] =	ssyncset.done $0x0  }
0xa4: {  	s25 =	simm.s32 $0x1B8E;
	s24 =	sld [smem:$0x3FFE];
	[sflag:s23] =	ssyncadd.s32 $0xFFFFFFFF  }
0xa5: {  	s26 =	simm.s32 $execute0_lowered;
	[smem:$0x3FD2] =	sst s25  }
0xa6: {  	s5 =	sshll.u32 s26, $0x1;
	_ =	strace $0x80000046;
	[dreg:$0x1] =	wrdreg $0xFFFFFFFF  }
0xa7: {  	s28 =	simm.s32 $_size_execute0_lowered;
	s3 =	sadd.s32 s3, s5;
	[dreg:$0x0] =	wrdreg $0x0  }
0xa8: {  	s5 =	sshll.u32 s28, $0x1;
	[dreg:$0x2] =	wrdreg s3  }
0xa9: {  	[dreg:$0x3] =	wrdreg s5  }
0xaa: {  	[dreg:$0x4] =	wrdreg $0xC0  }
0xab: {  	_ =	task [dreg:s7], $0x5FFFF  }
0xac: {  	[dreg:$0x1] =	wrdreg $0xFFFFFFFF  }
0xad: {  	[dreg:$0x0] =	wrdreg $0x60  }
0xae: {  	[dreg:$0x2] =	wrdreg s2  }
0xaf: {  	[dreg:$0x3] =	wrdreg s24  }
0xb0: {  	[dreg:$0x4] =	wrdreg $0x9  }
0xb1: {  	_ =	task.clear_ibuf [dreg:s7], $0x5FFFF;
	_ =	strace $0x90000046  }
0xb2: {  	s29 =	simm.s32 $0x9;
	_ =	strace $0x80000048  }
0xb3: {  	_ =	swait.ge [sflag:s29], $0x1  }
0xb4: {  	[sflag:s29] =	ssyncadd.s32 $0xFFFFFFFF  }
0xb5: {  	_ =	strace $0x90000048  }
0xb6: {  	_ =	sfence  }
0xb7: {  	s30 =	sld [smem:$0x0];
	_ =	sdelay $0x2  }
0xb8: {  	s31 =	sshll.u32 s1, $0xD;
	s1 =	sshrl.u32 s1, $0x2  }
0xb9: {  	s3 =	sand.u32 $0x4000, s31;
	s1 =	sadd.s32 s1, s30  }
0xba: {  	s0 =	sor.u32 s3, s0;
	s1 =	sshll.u32 s1, $0x11  }
0xbb: {  	s0 =	sor.u32 s1, s0  }
0xbc: {  	s0 =	sadd.s32 $0x8F2B, s0  }
0xbd: {  	[sflag:s0] =	ssyncadd.remote.s32 $0x1  }
0xbe: {  	_ =	sfence.sel $0xFFFF  }
0xbf: {  	[dreg:$0x0] =	wrdreg $0xFFFFFFFF;
	(pc) =	sbr.abs _section_cstart, $3  }
0xc0: {  	[dreg:$0x1] =	wrdreg $0xFFFFFFFF  }
0xc1: {  	_ =	task.clear_ibuf [dreg:s7], $0x2FFFF;
	_ =	strace $0x9FFFFFFF  }
0xc2: {  	(tm) =	ssettm $0x7FFFFFFF  }
0xc3: {  	_ =	shalt  }
tec
execute0_lowered:
.L_overlay_start_1:
0x0: {  	(tag) =	ssettag $0x1  }
0x1: {  	s11 =	rddreg [dreg:$0x0]  }
0x2: {  	s3 =	rddreg [dreg:$0x1]  }
0x3: {  	s0 =	rddreg [dreg:$0x2];
	s2 =	simm.s32 $0x0;
	s4 =	srdreg.scid  }
0x4: {  	s1 =	stileid.u32;
	s17 =	simm.s32 $0x200;
	s18 =	simm.s32 $0x300  }
0x5: {  	s19 =	simm.s32 $0x1;
	s20 =	simm.s32 $0x4;
	s21 =	simm.s32 $0x5  }
0x6: {  	s22 =	simm.s32 $0x0;
	[smem:$0x7FF] =	sst s2;
	s12 =	sand.u32 $0x1, s4  }
0x7: {  	s23 =	sshll.u32 s1, $0x1;
	s8 =	sadd.s32 $0x400, s3;
	s3 =	sadd.s32 $0x6800, s3  }
0x8: {  	s14 =	smul.u32 $0x640, s1;
	s28 =	sshll.u32 s1, $0xD;
	s30 =	sshll.u32 s1, $0x6  }
0x9: {  	_ =	strace $0x80000047;
	s5 =	sor.u32 s12, s23;
	s15 =	smul.u32 $0x320, s12  }
0xa: {  	s24 =	ssub.s32 $0x2, s12;
	s29 =	sshll.u32 s12, $0xC;
	s7 =	smul.u32 $0x320, s5  }
0xb: {  	s12 =	sshll.u32 s12, $0x5;
	s6 =	sshrl.u32 s24, $0x1;
	s9 =	smul.u32 $0x61C00, s5  }
0xc: {  	s13 =	smul.u32 $0x30E000, s5;
	s16 =	sadd.s32 s14, s8;
	s10 =	ssub.s32 s24, s6  }
0xd: {  	s26 =	sadd.s32 s15, s16;
	s16 =	simm.s32 $0x80;
	s4 =	sadd.s32 s11, s7  }
0xe: {  	s5 =	sadd.s32 s8, s7;
	s6 =	sadd.s32 s3, s9;
	s25 =	sor.u32 $0x19, s7  }
0xf: {  	s13 =	sshrl.u32 s13, $0x3;
	s10 =	smax.u32 s10, $0x1;
	[dreg:$0x4] =	wrdreg s26  }
0x10: {  	s7 =	sadd.s32 s11, s25;
	s13 =	sadd.s32 s3, s13;
	s8 =	sadd.s32 s8, s25  }
0x11: {  	s11 =	sadd.s32 s14, s11;
	s14 =	simm.s32 $0x3;
	s9 =	sadd.s32 $0x49570, s13  }
0x12: {  	s11 =	sadd.s32 s15, s11;
	s13 =	sor.u32 s29, s28;
	s15 =	simm.s32 $0x400  }
0x13: {  	[dreg:$0x3] =	wrdreg s11;
	s11 =	sor.u32 s12, s30;
	s31 =	sor.u32 $0x100, s13  }
0x14: {  	v0 =	vimm.s32 $0x0;
	v1 =	vimm.f32 $0.0e+00;
	s12 =	simm.s32 $0x100;
	s13 =	simm.s32 $0x2;
	[dreg:$0x5] =	wrdreg s31  }
.LBB2_1:
0x15: {  	[tilespmem:$0x0] =	vst v0  }
0x16: {  	[tilespmem:$0x100] =	vst v1  }
0x17: {  	[tilespmem:$0x200] =	vst v0  }
0x18: {  	[tilespmem:$0x300] =	vst v1  }
0x19: {  	[tilespmem:$0x10] =	vst v0  }
0x1a: {  	[tilespmem:$0x110] =	vst v1  }
0x1b: {  	[tilespmem:$0x210] =	vst v0  }
0x1c: {  	[tilespmem:$0x310] =	vst v1  }
0x1d: {  	[tilespmem:$0x20] =	vst v0  }
0x1e: {  	[tilespmem:$0x120] =	vst v1  }
0x1f: {  	[tilespmem:$0x220] =	vst v0  }
0x20: {  	[tilespmem:$0x320] =	vst v1  }
0x21: {  	[tilespmem:$0x30] =	vst v0  }
0x22: {  	[tilespmem:$0x130] =	vst v1  }
0x23: {  	[tilespmem:$0x230] =	vst v0  }
0x24: {  	[tilespmem:$0x330] =	vst v1  }
0x25: {  	[tilespmem:$0x40] =	vst v0  }
0x26: {  	[tilespmem:$0x140] =	vst v1  }
0x27: {  	[tilespmem:$0x240] =	vst v0  }
0x28: {  	[tilespmem:$0x340] =	vst v1  }
0x29: {  	[tilespmem:$0x50] =	vst v0  }
0x2a: {  	[tilespmem:$0x150] =	vst v1  }
0x2b: {  	[tilespmem:$0x250] =	vst v0  }
0x2c: {  	[tilespmem:$0x350] =	vst v1  }
0x2d: {  	[tilespmem:$0x60] =	vst v0  }
0x2e: {  	[tilespmem:$0x160] =	vst v1  }
0x2f: {  	[tilespmem:$0x260] =	vst v0  }
0x30: {  	[tilespmem:$0x360] =	vst v1  }
0x31: {  	[tilespmem:$0x70] =	vst v0  }
0x32: {  	[tilespmem:$0x170] =	vst v1  }
0x33: {  	[tilespmem:$0x270] =	vst v0  }
0x34: {  	[tilespmem:$0x370] =	vst v1  }
0x35: {  	[tilespmem:$0x80] =	vst v0  }
0x36: {  	[tilespmem:$0x180] =	vst v1  }
0x37: {  	[tilespmem:$0x280] =	vst v0  }
0x38: {  	[tilespmem:$0x380] =	vst v1  }
0x39: {  	[tilespmem:$0x90] =	vst v0  }
0x3a: {  	[tilespmem:$0x190] =	vst v1  }
0x3b: {  	[tilespmem:$0x290] =	vst v0  }
0x3c: {  	[tilespmem:$0x390] =	vst v1  }
0x3d: {  	[tilespmem:$0xA0] =	vst v0  }
0x3e: {  	[tilespmem:$0x1A0] =	vst v1  }
0x3f: {  	[tilespmem:$0x2A0] =	vst v0  }
0x40: {  	[tilespmem:$0x3A0] =	vst v1  }
0x41: {  	[tilespmem:$0xB0] =	vst v0  }
0x42: {  	[tilespmem:$0x1B0] =	vst v1  }
0x43: {  	[tilespmem:$0x2B0] =	vst v0  }
0x44: {  	[tilespmem:$0x3B0] =	vst v1  }
0x45: {  	[tilespmem:$0xC0] =	vst v0  }
0x46: {  	[tilespmem:$0x1C0] =	vst v1  }
0x47: {  	[tilespmem:$0x2C0] =	vst v0  }
0x48: {  	[tilespmem:$0x3C0] =	vst v1;
	s23 =	simm.s32 $0x40;
	s24 =	simm.s32 $0x0  }
.LBB2_2:
0x49: {  	p0 =	sne.s32 s23, $0x61A40;
	[tilespmem:s24+$0x400] =	vst v1;
	s24 =	smov.u32 s23;
	s23 =	sadd.s32 $0x40, s23  }
.Ltmp0:
0x4a: {  	(pc) =	sbr.rel @p0 .LBB2_2-.Ltmp0, $2  }
0x4b: {  	_ =	sdelay $0x2  }
0x4c: {  	s24 =	sshra.s32 s24, $0x2  }
0x4d: {  	[tilespmem:s24+$0x400] =	vst v1;
	s23 =	simm.s32 $0x0  }
0x4e: {  	[tilespmem:s23], [sflag:$0x2] =	stream.linear.gather [hbm4b:s4+s23], $0xC8, $0x38;
	[tilespmem:$0x18B00] =	vst v63  }
0x4f: {  	_ = 	snop  }
0x50: {  	[tilespmem:s12], [sflag:$0x3] =	stream.linear.gather [hbm4b:s5+s23], $0xC8, $0x38;
	[tilespmem:$0x18B00] =	vst v63  }
0x51: {  	_ =	swait.ge [sflag:s13], $0xC8  }
0x52: {  	[sflag:s13] =	ssyncset.done $0x0  }
0x53: {  	[sflag:s13] =	ssyncadd.s32 $0xFFFFFF38  }
0x54: {  	_ =	swait.ge [sflag:s14], $0xC8  }
0x55: {  	[sflag:s14] =	ssyncset.done $0x0  }
0x56: {  	[sflag:s14] =	ssyncadd.s32 $0xFFFFFF38  }
0x57: {  	v2 =	vld [tilespmem:$0x0];
	_ =	sdelay $0x2  }
0x58: {  	v3 =	vld [tilespmem:$0x100];
	_ =	sdelay $0x4  }
0x59: {  	[tilespmem:v2+s15+$0x0] =	vst.idx.add.f32.msk $0xffff, v3  }
0x5a: {  	v2 =	vld [tilespmem:$0x10];
	_ =	sdelay $0x2  }
0x5b: {  	v3 =	vld [tilespmem:$0x110];
	_ =	sdelay $0x4  }
0x5c: {  	[tilespmem:v2+s15+$0x0] =	vst.idx.add.f32.msk $0xffff, v3  }
0x5d: {  	v2 =	vld [tilespmem:$0x20];
	_ =	sdelay $0x2  }
0x5e: {  	v3 =	vld [tilespmem:$0x120];
	_ =	sdelay $0x4  }
0x5f: {  	[tilespmem:v2+s15+$0x0] =	vst.idx.add.f32.msk $0xffff, v3  }
0x60: {  	v2 =	vld [tilespmem:$0x30];
	_ =	sdelay $0x2  }
0x61: {  	v3 =	vld [tilespmem:$0x130];
	_ =	sdelay $0x4  }
0x62: {  	[tilespmem:v2+s15+$0x0] =	vst.idx.add.f32.msk $0xffff, v3  }
0x63: {  	v2 =	vld [tilespmem:$0x40];
	_ =	sdelay $0x2  }
0x64: {  	v3 =	vld [tilespmem:$0x140];
	_ =	sdelay $0x4  }
0x65: {  	[tilespmem:v2+s15+$0x0] =	vst.idx.add.f32.msk $0xffff, v3  }
0x66: {  	v2 =	vld [tilespmem:$0x50];
	_ =	sdelay $0x2  }
0x67: {  	v3 =	vld [tilespmem:$0x150];
	_ =	sdelay $0x4  }
0x68: {  	[tilespmem:v2+s15+$0x0] =	vst.idx.add.f32.msk $0xffff, v3  }
0x69: {  	v2 =	vld [tilespmem:$0x60];
	_ =	sdelay $0x2  }
0x6a: {  	v3 =	vld [tilespmem:$0x160];
	_ =	sdelay $0x4  }
0x6b: {  	[tilespmem:v2+s15+$0x0] =	vst.idx.add.f32.msk $0xffff, v3  }
0x6c: {  	v2 =	vld [tilespmem:$0x70];
	_ =	sdelay $0x2  }
0x6d: {  	v3 =	vld [tilespmem:$0x170];
	_ =	sdelay $0x4  }
0x6e: {  	[tilespmem:v2+s15+$0x0] =	vst.idx.add.f32.msk $0xffff, v3  }
0x6f: {  	v2 =	vld [tilespmem:$0x80];
	_ =	sdelay $0x2  }
0x70: {  	v3 =	vld [tilespmem:$0x180];
	_ =	sdelay $0x4  }
0x71: {  	[tilespmem:v2+s15+$0x0] =	vst.idx.add.f32.msk $0xffff, v3  }
0x72: {  	v2 =	vld [tilespmem:$0x90];
	_ =	sdelay $0x2  }
0x73: {  	v3 =	vld [tilespmem:$0x190];
	_ =	sdelay $0x4  }
0x74: {  	[tilespmem:v2+s15+$0x0] =	vst.idx.add.f32.msk $0xffff, v3  }
0x75: {  	v2 =	vld [tilespmem:$0xA0];
	_ =	sdelay $0x2  }
0x76: {  	v3 =	vld [tilespmem:$0x1A0];
	_ =	sdelay $0x4  }
0x77: {  	[tilespmem:v2+s15+$0x0] =	vst.idx.add.f32.msk $0xffff, v3  }
0x78: {  	v2 =	vld [tilespmem:$0xB0];
	_ =	sdelay $0x2  }
0x79: {  	v3 =	vld [tilespmem:$0x1B0];
	_ =	sdelay $0x4  }
0x7a: {  	[tilespmem:v2+s15+$0x0] =	vst.idx.add.f32.msk $0xffff, v3  }
0x7b: {  	v2 =	vld [tilespmem:$0xC0];
	_ =	sdelay $0x2  }
0x7c: {  	v3 =	vld [tilespmem:$0x1C0];
	_ =	sdelay $0x4  }
0x7d: {  	[tilespmem:v2+s15+$0x0] =	vst.idx.add.f32.msk $0xffff, v3  }
0x7e: {  	[hbm4b:s6+s16] =	stream.strided.scatter [tilespmem:s15], [sflag:$0x1], $0x18700, s15, s16, $0x38;
	[tilespmem:$0x18B00] =	vst v63  }
0x7f: {  	_ = 	snop  }
0x80: {  	[tilespmem:s17], [sflag:$0x4] =	stream.linear.gather [hbm4b:s7+s23], $0xC8, $0x38;
	[tilespmem:$0x18B00] =	vst v63  }
0x81: {  	s25 =	smov.u32 s11;
	s24 =	simm.s32 $0x0  }
0x82: {  	[tilespmem:s18], [sflag:$0x5] =	stream.linear.gather [hbm4b:s8+s23], $0xC8, $0x38;
	[tilespmem:$0x18B00] =	vst v63  }
.LBB2_4:
0x83: {  	_ =	swait.ge [sflag:s19], $0x18700  }
0x84: {  	[sflag:s19] =	ssyncset.done $0x0  }
0x85: {  	[sflag:s19] =	ssyncadd.s32 $0xFFFE7900  }
0x86: {  	v2 =	vld [tilespmem:$0x0];
	_ =	sdelay $0x7  }
0x87: {  	[tilespmem:v2+s15+$0x0] =	vst.idx.msk $0xffff, v1  }
0x88: {  	v2 =	vld [tilespmem:$0x10];
	_ =	sdelay $0x7  }
0x89: {  	[tilespmem:v2+s15+$0x0] =	vst.idx.msk $0xffff, v1  }
0x8a: {  	v2 =	vld [tilespmem:$0x20];
	_ =	sdelay $0x7  }
0x8b: {  	[tilespmem:v2+s15+$0x0] =	vst.idx.msk $0xffff, v1  }
0x8c: {  	v2 =	vld [tilespmem:$0x30];
	_ =	sdelay $0x7  }
0x8d: {  	[tilespmem:v2+s15+$0x0] =	vst.idx.msk $0xffff, v1  }
0x8e: {  	v2 =	vld [tilespmem:$0x40];
	_ =	sdelay $0x7  }
0x8f: {  	[tilespmem:v2+s15+$0x0] =	vst.idx.msk $0xffff, v1  }
0x90: {  	v2 =	vld [tilespmem:$0x50];
	_ =	sdelay $0x7  }
0x91: {  	[tilespmem:v2+s15+$0x0] =	vst.idx.msk $0xffff, v1  }
0x92: {  	v2 =	vld [tilespmem:$0x60];
	_ =	sdelay $0x7  }
0x93: {  	[tilespmem:v2+s15+$0x0] =	vst.idx.msk $0xffff, v1  }
0x94: {  	v2 =	vld [tilespmem:$0x70];
	_ =	sdelay $0x7  }
0x95: {  	[tilespmem:v2+s15+$0x0] =	vst.idx.msk $0xffff, v1  }
0x96: {  	v2 =	vld [tilespmem:$0x80];
	_ =	sdelay $0x7  }
0x97: {  	[tilespmem:v2+s15+$0x0] =	vst.idx.msk $0xffff, v1  }
0x98: {  	v2 =	vld [tilespmem:$0x90];
	_ =	sdelay $0x7  }
0x99: {  	[tilespmem:v2+s15+$0x0] =	vst.idx.msk $0xffff, v1  }
0x9a: {  	v2 =	vld [tilespmem:$0xA0];
	_ =	sdelay $0x7  }
0x9b: {  	[tilespmem:v2+s15+$0x0] =	vst.idx.msk $0xffff, v1  }
0x9c: {  	v2 =	vld [tilespmem:$0xB0];
	_ =	sdelay $0x7  }
0x9d: {  	[tilespmem:v2+s15+$0x0] =	vst.idx.msk $0xffff, v1  }
0x9e: {  	v2 =	vld [tilespmem:$0xC0];
	_ =	sdelay $0x5  }
0x9f: {  	s26 =	rddreg [dreg:$0x3]  }
0xa0: {  	s28 =	rddreg [dreg:$0x4];
	s26 =	sadd.s32 s24, s26  }
0xa1: {  	s28 =	sadd.s32 s24, s28;
	s29 =	sadd.s32 $0x32, s26;
	[tilespmem:v2+s15+$0x0] =	vst.idx.msk $0xffff, v1  }
0xa2: {  	[tilespmem:s2], [sflag:$0x2] =	stream.linear.gather [hbm4b:s29+s2], $0xC8, $0x38;
	[tilespmem:$0x18B00] =	vst v63  }
0xa3: {  	s30 =	sadd.s32 $0x32, s28  }
0xa4: {  	[tilespmem:s12], [sflag:$0x3] =	stream.linear.gather [hbm4b:s30+s2], $0xC8, $0x38;
	[tilespmem:$0x18B00] =	vst v63  }
0xa5: {  	_ =	swait.ge [sflag:s20], $0xC8  }
0xa6: {  	[sflag:s20] =	ssyncset.done $0x0  }
0xa7: {  	[sflag:s20] =	ssyncadd.s32 $0xFFFFFF38  }
0xa8: {  	_ =	swait.ge [sflag:s21], $0xC8  }
0xa9: {  	[sflag:s21] =	ssyncset.done $0x0  }
0xaa: {  	[sflag:s21] =	ssyncadd.s32 $0xFFFFFF38  }
0xab: {  	v2 =	vld [tilespmem:$0x200];
	_ =	sdelay $0x2  }
0xac: {  	v3 =	vld [tilespmem:$0x300];
	_ =	sdelay $0x4  }
0xad: {  	[tilespmem:v2+s15+$0x0] =	vst.idx.add.f32.msk $0xffff, v3  }
0xae: {  	v2 =	vld [tilespmem:$0x210];
	_ =	sdelay $0x2  }
0xaf: {  	v3 =	vld [tilespmem:$0x310];
	_ =	sdelay $0x4  }
0xb0: {  	[tilespmem:v2+s15+$0x0] =	vst.idx.add.f32.msk $0xffff, v3  }
0xb1: {  	v2 =	vld [tilespmem:$0x220];
	_ =	sdelay $0x2  }
0xb2: {  	v3 =	vld [tilespmem:$0x320];
	_ =	sdelay $0x4  }
0xb3: {  	[tilespmem:v2+s15+$0x0] =	vst.idx.add.f32.msk $0xffff, v3  }
0xb4: {  	v2 =	vld [tilespmem:$0x230];
	_ =	sdelay $0x2  }
0xb5: {  	v3 =	vld [tilespmem:$0x330];
	_ =	sdelay $0x4  }
0xb6: {  	[tilespmem:v2+s15+$0x0] =	vst.idx.add.f32.msk $0xffff, v3  }
0xb7: {  	v2 =	vld [tilespmem:$0x240];
	_ =	sdelay $0x2  }
0xb8: {  	v3 =	vld [tilespmem:$0x340];
	_ =	sdelay $0x4  }
0xb9: {  	[tilespmem:v2+s15+$0x0] =	vst.idx.add.f32.msk $0xffff, v3  }
0xba: {  	v2 =	vld [tilespmem:$0x250];
	_ =	sdelay $0x2  }
0xbb: {  	v3 =	vld [tilespmem:$0x350];
	_ =	sdelay $0x4  }
0xbc: {  	[tilespmem:v2+s15+$0x0] =	vst.idx.add.f32.msk $0xffff, v3  }
0xbd: {  	v2 =	vld [tilespmem:$0x260];
	_ =	sdelay $0x2  }
0xbe: {  	v3 =	vld [tilespmem:$0x360];
	_ =	sdelay $0x4  }
0xbf: {  	[tilespmem:v2+s15+$0x0] =	vst.idx.add.f32.msk $0xffff, v3  }
0xc0: {  	v2 =	vld [tilespmem:$0x270];
	_ =	sdelay $0x2  }
0xc1: {  	v3 =	vld [tilespmem:$0x370];
	_ =	sdelay $0x4  }
0xc2: {  	[tilespmem:v2+s15+$0x0] =	vst.idx.add.f32.msk $0xffff, v3  }
0xc3: {  	v2 =	vld [tilespmem:$0x280];
	_ =	sdelay $0x2  }
0xc4: {  	v3 =	vld [tilespmem:$0x380];
	_ =	sdelay $0x4  }
0xc5: {  	[tilespmem:v2+s15+$0x0] =	vst.idx.add.f32.msk $0xffff, v3  }
0xc6: {  	v2 =	vld [tilespmem:$0x290];
	_ =	sdelay $0x2  }
0xc7: {  	v3 =	vld [tilespmem:$0x390];
	_ =	sdelay $0x4  }
0xc8: {  	[tilespmem:v2+s15+$0x0] =	vst.idx.add.f32.msk $0xffff, v3  }
0xc9: {  	v2 =	vld [tilespmem:$0x2A0];
	_ =	sdelay $0x2  }
0xca: {  	v3 =	vld [tilespmem:$0x3A0];
	_ =	sdelay $0x4  }
0xcb: {  	[tilespmem:v2+s15+$0x0] =	vst.idx.add.f32.msk $0xffff, v3  }
0xcc: {  	v2 =	vld [tilespmem:$0x2B0];
	_ =	sdelay $0x2  }
0xcd: {  	v3 =	vld [tilespmem:$0x3B0];
	_ =	sdelay $0x4  }
0xce: {  	[tilespmem:v2+s15+$0x0] =	vst.idx.add.f32.msk $0xffff, v3  }
0xcf: {  	v2 =	vld [tilespmem:$0x2C0];
	_ =	sdelay $0x1  }
0xd0: {  	s31 =	sshrl.u32 s25, $0x3  }
0xd1: {  	s29 =	smul.u32 $0xC3800, s31;
	v3 =	vld [tilespmem:$0x3C0]  }
0xd2: {  	s30 =	sand.u32 $0x300, s23  }
0xd3: {  	s29 =	sor.u32 s29, s30  }
0xd4: {  	s29 =	sor.u32 $0x80, s29  }
0xd5: {  	s29 =	sshrl.u32 s29, $0x3  }
0xd6: {  	s29 =	sadd.s32 s3, s29;
	[tilespmem:v2+s15+$0x0] =	vst.idx.add.f32.msk $0xffff, v3  }
0xd7: {  	[hbm4b:s29+s16] =	stream.strided.scatter [tilespmem:s15], [sflag:$0x1], $0x18700, s15, s16, $0x38;
	[tilespmem:$0x18B00] =	vst v63  }
0xd8: {  	_ =	swait.ge [sflag:s19], $0x18700  }
0xd9: {  	[sflag:s19] =	ssyncset.done $0x0  }
0xda: {  	[sflag:s19] =	ssyncadd.s32 $0xFFFE7900  }
0xdb: {  	v2 =	vld [tilespmem:$0x200];
	_ =	sdelay $0x7  }
0xdc: {  	[tilespmem:v2+s15+$0x0] =	vst.idx.msk $0xffff, v1  }
0xdd: {  	v2 =	vld [tilespmem:$0x210];
	_ =	sdelay $0x7  }
0xde: {  	[tilespmem:v2+s15+$0x0] =	vst.idx.msk $0xffff, v1  }
0xdf: {  	v2 =	vld [tilespmem:$0x220];
	_ =	sdelay $0x7  }
0xe0: {  	[tilespmem:v2+s15+$0x0] =	vst.idx.msk $0xffff, v1  }
0xe1: {  	v2 =	vld [tilespmem:$0x230];
	_ =	sdelay $0x7  }
0xe2: {  	[tilespmem:v2+s15+$0x0] =	vst.idx.msk $0xffff, v1  }
0xe3: {  	v2 =	vld [tilespmem:$0x240];
	_ =	sdelay $0x7  }
0xe4: {  	[tilespmem:v2+s15+$0x0] =	vst.idx.msk $0xffff, v1  }
0xe5: {  	v2 =	vld [tilespmem:$0x250];
	_ =	sdelay $0x7  }
0xe6: {  	[tilespmem:v2+s15+$0x0] =	vst.idx.msk $0xffff, v1  }
0xe7: {  	v2 =	vld [tilespmem:$0x260];
	_ =	sdelay $0x7  }
0xe8: {  	[tilespmem:v2+s15+$0x0] =	vst.idx.msk $0xffff, v1  }
0xe9: {  	v2 =	vld [tilespmem:$0x270];
	_ =	sdelay $0x7  }
0xea: {  	[tilespmem:v2+s15+$0x0] =	vst.idx.msk $0xffff, v1  }
0xeb: {  	v2 =	vld [tilespmem:$0x280];
	_ =	sdelay $0x7  }
0xec: {  	[tilespmem:v2+s15+$0x0] =	vst.idx.msk $0xffff, v1  }
0xed: {  	v2 =	vld [tilespmem:$0x290];
	_ =	sdelay $0x7  }
0xee: {  	[tilespmem:v2+s15+$0x0] =	vst.idx.msk $0xffff, v1  }
0xef: {  	v2 =	vld [tilespmem:$0x2A0];
	_ =	sdelay $0x7  }
0xf0: {  	[tilespmem:v2+s15+$0x0] =	vst.idx.msk $0xffff, v1  }
0xf1: {  	v2 =	vld [tilespmem:$0x2B0];
	_ =	sdelay $0x7  }
0xf2: {  	[tilespmem:v2+s15+$0x0] =	vst.idx.msk $0xffff, v1  }
0xf3: {  	v2 =	vld [tilespmem:$0x2C0];
	_ =	sdelay $0x7  }
0xf4: {  	s26 =	sadd.s32 $0x4B, s26;
	[tilespmem:v2+s15+$0x0] =	vst.idx.msk $0xffff, v1  }
0xf5: {  	[tilespmem:s17], [sflag:$0x4] =	stream.linear.gather [hbm4b:s26+s2], $0xC8, $0x38;
	[tilespmem:$0x18B00] =	vst v63  }
0xf6: {  	s29 =	sadd.s32 $0x4B, s28  }
0xf7: {  	[tilespmem:s18], [sflag:$0x5] =	stream.linear.gather [hbm4b:s29+s2], $0xC8, $0x38;
	[tilespmem:$0x18B00] =	vst v63  }
0xf8: {  	_ =	swait.ge [sflag:s13], $0xC8  }
0xf9: {  	[sflag:s13] =	ssyncset.done $0x0  }
0xfa: {  	[sflag:s13] =	ssyncadd.s32 $0xFFFFFF38  }
0xfb: {  	_ =	swait.ge [sflag:s14], $0xC8  }
0xfc: {  	[sflag:s14] =	ssyncset.done $0x0  }
0xfd: {  	[sflag:s14] =	ssyncadd.s32 $0xFFFFFF38  }
0xfe: {  	v2 =	vld [tilespmem:$0x0];
	_ =	sdelay $0x2  }
0xff: {  	v3 =	vld [tilespmem:$0x100];
	_ =	sdelay $0x4  }
0x100: {  	[tilespmem:v2+s15+$0x0] =	vst.idx.add.f32.msk $0xffff, v3  }
0x101: {  	v2 =	vld [tilespmem:$0x10];
	_ =	sdelay $0x2  }
0x102: {  	v3 =	vld [tilespmem:$0x110];
	_ =	sdelay $0x4  }
0x103: {  	[tilespmem:v2+s15+$0x0] =	vst.idx.add.f32.msk $0xffff, v3  }
0x104: {  	v2 =	vld [tilespmem:$0x20];
	_ =	sdelay $0x2  }
0x105: {  	v3 =	vld [tilespmem:$0x120];
	_ =	sdelay $0x4  }
0x106: {  	[tilespmem:v2+s15+$0x0] =	vst.idx.add.f32.msk $0xffff, v3  }
0x107: {  	v2 =	vld [tilespmem:$0x30];
	_ =	sdelay $0x2  }
0x108: {  	v3 =	vld [tilespmem:$0x130];
	_ =	sdelay $0x4  }
0x109: {  	[tilespmem:v2+s15+$0x0] =	vst.idx.add.f32.msk $0xffff, v3  }
0x10a: {  	v2 =	vld [tilespmem:$0x40];
	_ =	sdelay $0x2  }
0x10b: {  	v3 =	vld [tilespmem:$0x140];
	_ =	sdelay $0x4  }
0x10c: {  	[tilespmem:v2+s15+$0x0] =	vst.idx.add.f32.msk $0xffff, v3  }
0x10d: {  	v2 =	vld [tilespmem:$0x50];
	_ =	sdelay $0x2  }
0x10e: {  	v3 =	vld [tilespmem:$0x150];
	_ =	sdelay $0x4  }
0x10f: {  	[tilespmem:v2+s15+$0x0] =	vst.idx.add.f32.msk $0xffff, v3  }
0x110: {  	v2 =	vld [tilespmem:$0x60];
	_ =	sdelay $0x2  }
0x111: {  	v3 =	vld [tilespmem:$0x160];
	_ =	sdelay $0x4  }
0x112: {  	[tilespmem:v2+s15+$0x0] =	vst.idx.add.f32.msk $0xffff, v3  }
0x113: {  	v2 =	vld [tilespmem:$0x70];
	_ =	sdelay $0x2  }
0x114: {  	v3 =	vld [tilespmem:$0x170];
	_ =	sdelay $0x4  }
0x115: {  	[tilespmem:v2+s15+$0x0] =	vst.idx.add.f32.msk $0xffff, v3  }
0x116: {  	v2 =	vld [tilespmem:$0x80];
	_ =	sdelay $0x2  }
0x117: {  	v3 =	vld [tilespmem:$0x180];
	_ =	sdelay $0x4  }
0x118: {  	[tilespmem:v2+s15+$0x0] =	vst.idx.add.f32.msk $0xffff, v3  }
0x119: {  	v2 =	vld [tilespmem:$0x90];
	_ =	sdelay $0x2  }
0x11a: {  	v3 =	vld [tilespmem:$0x190];
	_ =	sdelay $0x4  }
0x11b: {  	[tilespmem:v2+s15+$0x0] =	vst.idx.add.f32.msk $0xffff, v3  }
0x11c: {  	v2 =	vld [tilespmem:$0xA0];
	_ =	sdelay $0x2  }
0x11d: {  	v3 =	vld [tilespmem:$0x1A0];
	_ =	sdelay $0x4  }
0x11e: {  	[tilespmem:v2+s15+$0x0] =	vst.idx.add.f32.msk $0xffff, v3  }
0x11f: {  	v2 =	vld [tilespmem:$0xB0];
	_ =	sdelay $0x2  }
0x120: {  	v3 =	vld [tilespmem:$0x1B0];
	_ =	sdelay $0x4  }
0x121: {  	[tilespmem:v2+s15+$0x0] =	vst.idx.add.f32.msk $0xffff, v3  }
0x122: {  	v2 =	vld [tilespmem:$0xC0];
	_ =	sdelay $0x1  }
0x123: {  	s25 =	sadd.s32 $0x2, s25  }
0x124: {  	s31 =	sshrl.u32 s25, $0x3;
	s30 =	rddreg [dreg:$0x5];
	v3 =	vld [tilespmem:$0x1C0]  }
0x125: {  	p0 =	sne.s32 s24, $0x2BC;
	s28 =	smul.u32 $0xC3800, s31;
	s26 =	sadd.s32 s23, s30  }
.Ltmp1:
0x126: {  	s26 =	sand.u32 $0x300, s26;
	(pc) =	sbr.rel @p0 .LBB2_4-.Ltmp1, $4  }
0x127: {  	s26 =	sor.u32 s26, s28  }
0x128: {  	s26 =	sshrl.u32 s26, $0x3  }
0x129: {  	s24 =	sadd.s32 $0x32, s24;
	s23 =	sadd.s32 $0x100, s23;
	s26 =	sadd.s32 s3, s26;
	[tilespmem:v2+s15+$0x0] =	vst.idx.add.f32.msk $0xffff, v3  }
0x12a: {  	[hbm4b:s26+s16] =	stream.strided.scatter [tilespmem:s15], [sflag:$0x1], $0x18700, s15, s16, $0x38;
	[tilespmem:$0x18B00] =	vst v63  }
0x12b: {  	_ =	swait.ge [sflag:s19], $0x18700  }
0x12c: {  	[sflag:s19] =	ssyncset.done $0x0  }
0x12d: {  	[sflag:s19] =	ssyncadd.s32 $0xFFFE7900  }
0x12e: {  	v2 =	vld [tilespmem:$0x0];
	_ =	sdelay $0x7  }
0x12f: {  	[tilespmem:v2+s15+$0x0] =	vst.idx.msk $0xffff, v1  }
0x130: {  	v2 =	vld [tilespmem:$0x10];
	_ =	sdelay $0x7  }
0x131: {  	[tilespmem:v2+s15+$0x0] =	vst.idx.msk $0xffff, v1  }
0x132: {  	v2 =	vld [tilespmem:$0x20];
	_ =	sdelay $0x7  }
0x133: {  	[tilespmem:v2+s15+$0x0] =	vst.idx.msk $0xffff, v1  }
0x134: {  	v2 =	vld [tilespmem:$0x30];
	_ =	sdelay $0x7  }
0x135: {  	[tilespmem:v2+s15+$0x0] =	vst.idx.msk $0xffff, v1  }
0x136: {  	v2 =	vld [tilespmem:$0x40];
	_ =	sdelay $0x7  }
0x137: {  	[tilespmem:v2+s15+$0x0] =	vst.idx.msk $0xffff, v1  }
0x138: {  	v2 =	vld [tilespmem:$0x50];
	_ =	sdelay $0x7  }
0x139: {  	[tilespmem:v2+s15+$0x0] =	vst.idx.msk $0xffff, v1  }
0x13a: {  	v2 =	vld [tilespmem:$0x60];
	_ =	sdelay $0x7  }
0x13b: {  	[tilespmem:v2+s15+$0x0] =	vst.idx.msk $0xffff, v1  }
0x13c: {  	v2 =	vld [tilespmem:$0x70];
	_ =	sdelay $0x7  }
0x13d: {  	[tilespmem:v2+s15+$0x0] =	vst.idx.msk $0xffff, v1  }
0x13e: {  	v2 =	vld [tilespmem:$0x80];
	_ =	sdelay $0x7  }
0x13f: {  	[tilespmem:v2+s15+$0x0] =	vst.idx.msk $0xffff, v1  }
0x140: {  	v2 =	vld [tilespmem:$0x90];
	_ =	sdelay $0x7  }
0x141: {  	[tilespmem:v2+s15+$0x0] =	vst.idx.msk $0xffff, v1  }
0x142: {  	v2 =	vld [tilespmem:$0xA0];
	_ =	sdelay $0x7  }
0x143: {  	[tilespmem:v2+s15+$0x0] =	vst.idx.msk $0xffff, v1  }
0x144: {  	v2 =	vld [tilespmem:$0xB0];
	_ =	sdelay $0x7  }
0x145: {  	[tilespmem:v2+s15+$0x0] =	vst.idx.msk $0xffff, v1  }
0x146: {  	v2 =	vld [tilespmem:$0xC0];
	_ =	sdelay $0x7  }
0x147: {  	[tilespmem:v2+s15+$0x0] =	vst.idx.msk $0xffff, v1  }
0x148: {  	_ =	swait.ge [sflag:s20], $0xC8  }
0x149: {  	[sflag:s20] =	ssyncset.done $0x0  }
0x14a: {  	[sflag:s20] =	ssyncadd.s32 $0xFFFFFF38  }
0x14b: {  	_ =	swait.ge [sflag:s21], $0xC8  }
0x14c: {  	[sflag:s21] =	ssyncset.done $0x0  }
0x14d: {  	[sflag:s21] =	ssyncadd.s32 $0xFFFFFF38  }
0x14e: {  	v2 =	vld [tilespmem:$0x200];
	_ =	sdelay $0x2  }
0x14f: {  	v3 =	vld [tilespmem:$0x300];
	_ =	sdelay $0x4  }
0x150: {  	[tilespmem:v2+s15+$0x0] =	vst.idx.add.f32.msk $0xffff, v3  }
0x151: {  	v2 =	vld [tilespmem:$0x210];
	_ =	sdelay $0x2  }
0x152: {  	v3 =	vld [tilespmem:$0x310];
	_ =	sdelay $0x4  }
0x153: {  	[tilespmem:v2+s15+$0x0] =	vst.idx.add.f32.msk $0xffff, v3  }
0x154: {  	v2 =	vld [tilespmem:$0x220];
	_ =	sdelay $0x2  }
0x155: {  	v3 =	vld [tilespmem:$0x320];
	_ =	sdelay $0x4  }
0x156: {  	[tilespmem:v2+s15+$0x0] =	vst.idx.add.f32.msk $0xffff, v3  }
0x157: {  	v2 =	vld [tilespmem:$0x230];
	_ =	sdelay $0x2  }
0x158: {  	v3 =	vld [tilespmem:$0x330];
	_ =	sdelay $0x4  }
0x159: {  	[tilespmem:v2+s15+$0x0] =	vst.idx.add.f32.msk $0xffff, v3  }
0x15a: {  	v2 =	vld [tilespmem:$0x240];
	_ =	sdelay $0x2  }
0x15b: {  	v3 =	vld [tilespmem:$0x340];
	_ =	sdelay $0x4  }
0x15c: {  	[tilespmem:v2+s15+$0x0] =	vst.idx.add.f32.msk $0xffff, v3  }
0x15d: {  	v2 =	vld [tilespmem:$0x250];
	_ =	sdelay $0x2  }
0x15e: {  	v3 =	vld [tilespmem:$0x350];
	_ =	sdelay $0x4  }
0x15f: {  	[tilespmem:v2+s15+$0x0] =	vst.idx.add.f32.msk $0xffff, v3  }
0x160: {  	v2 =	vld [tilespmem:$0x260];
	_ =	sdelay $0x2  }
0x161: {  	v3 =	vld [tilespmem:$0x360];
	_ =	sdelay $0x4  }
0x162: {  	[tilespmem:v2+s15+$0x0] =	vst.idx.add.f32.msk $0xffff, v3  }
0x163: {  	v2 =	vld [tilespmem:$0x270];
	_ =	sdelay $0x2  }
0x164: {  	v3 =	vld [tilespmem:$0x370];
	_ =	sdelay $0x4  }
0x165: {  	[tilespmem:v2+s15+$0x0] =	vst.idx.add.f32.msk $0xffff, v3  }
0x166: {  	v2 =	vld [tilespmem:$0x280];
	_ =	sdelay $0x2  }
0x167: {  	v3 =	vld [tilespmem:$0x380];
	_ =	sdelay $0x4  }
0x168: {  	[tilespmem:v2+s15+$0x0] =	vst.idx.add.f32.msk $0xffff, v3  }
0x169: {  	v2 =	vld [tilespmem:$0x290];
	_ =	sdelay $0x2  }
0x16a: {  	v3 =	vld [tilespmem:$0x390];
	_ =	sdelay $0x4  }
0x16b: {  	[tilespmem:v2+s15+$0x0] =	vst.idx.add.f32.msk $0xffff, v3  }
0x16c: {  	v2 =	vld [tilespmem:$0x2A0];
	_ =	sdelay $0x2  }
0x16d: {  	v3 =	vld [tilespmem:$0x3A0];
	_ =	sdelay $0x4  }
0x16e: {  	[tilespmem:v2+s15+$0x0] =	vst.idx.add.f32.msk $0xffff, v3  }
0x16f: {  	v2 =	vld [tilespmem:$0x2B0];
	_ =	sdelay $0x2  }
0x170: {  	v3 =	vld [tilespmem:$0x3B0];
	_ =	sdelay $0x4  }
0x171: {  	[tilespmem:v2+s15+$0x0] =	vst.idx.add.f32.msk $0xffff, v3  }
0x172: {  	v2 =	vld [tilespmem:$0x2C0];
	_ =	sdelay $0x2  }
0x173: {  	v3 =	vld [tilespmem:$0x3C0];
	_ =	sdelay $0x2  }
0x174: {  	s22 =	sadd.s32 $0x1, s22  }
0x175: {  	p0 =	sne.s32 s22, s10  }
.Ltmp2:
0x176: {  	[tilespmem:v2+s15+$0x0] =	vst.idx.add.f32.msk $0xffff, v3;
	(pc) =	sbr.rel @p0 .LBB2_1-.Ltmp2, $4  }
0x177: {  	[hbm4b:s9+s16] =	stream.strided.scatter [tilespmem:s15], [sflag:$0x1], $0x18700, s15, s16, $0x38;
	[tilespmem:$0x18B00] =	vst v63  }
0x178: {  	_ =	swait.ge [sflag:s19], $0x18700  }
0x179: {  	[sflag:s19] =	ssyncset.done $0x0  }
0x17a: {  	[sflag:s19] =	ssyncadd.s32 $0xFFFE7900  }
0x17b: {  	_ =	sfence.sel $0x180000  }
0x17c: {  	[bflag:$0x0] =	sbarrier.arrive $0xFFFF  }
0x17d: {  	p0 =	sne.s32 s1, $0x0;
	_ =	strace $0x90000047  }
0x17e: {  	s0 =	sadd.s32 @!p0 $0x100000, s0;
	[bflag:$0x2] =	sbarrier.arrive $0xFFFF  }
0x17f: {  	[sflag:s0] =	ssyncadd.tile.s32 @!p0 $0x1;
	_ =	shalt  }
.Lfunc_end2:
_tile_overlayer_lowered:
.L_overlay_start_2:
0x180: {  	(tag) =	ssettag $0x2  }
0x181: {  	s0 =	rddreg [dreg:$0x0];
	s2 =	stileid.u32  }
0x182: {  	s1 =	rddreg [dreg:$0x1];
	p0 =	sne.s32 s2, $0x0  }
0x183: {  	s3 =	rddreg [dreg:$0x2];
	[bflag:$0x3] =	sbarrier.arrive $0xFFFF;
	s2 =	simm.s32 @!p0 $0x1C06  }
0x184: {  	[timem:s3], [sflag:s2] =	dma.local @!p0 [hbm:s0], s1  }
0x185: {  	s0 =	simm.s32 @!p0 $0x6  }
0x186: {  	_ =	swait.ge @!p0 [sflag:s0], s1  }
0x187: {  	s1 =	ssub.s32 @!p0 $0x0, s1;
	[sflag:s0] =	ssyncset.done @!p0 $0x0  }
0x188: {  	[sflag:s0] =	ssyncadd.s32 @!p0 s1  }
0x189: {  	[bflag:$0x3] =	sbarrier.arrive $0xFFFF  }
0x18a: {  	_ =	shalt  }

</sc_bundles>
